<compile_context>
chip_gen: v7x
topology: tpu7x:2x2x1
jax: 0.10.2.dev20260603
libtpu: 0.0.44.dev20260713+nightly
codegen_flags: <defaults>
</compile_context>

<pallas_src>
import jax
import jax.numpy as jnp
import numpy as np
from jax import lax
from jax.experimental import pallas as pl
from jax.experimental.pallas import tpu as pltpu
from jax.experimental.pallas import tpu_sc as plsc

N = 1024
C = 256
O = 256
K = 20
NC = 2
NS = 16
L = 16
NW = NC * NS
RPW = N // NW
NCHUNK = N // L
NEG_INF = np.float32(-np.inf)


def _dist_body(x_ref, o_ref):
    x = x_ref[...]
    g = lax.dot_general(x, x, (((0,), (0,)), ((), ())),
                        preferred_element_type=jnp.float32)
    x2 = jnp.sum(x * x, axis=0)
    o_ref[...] = 2.0 * g - x2[None, :] - x2[:, None]


def _dist(x):
    return pl.pallas_call(
        _dist_body,
        out_shape=jax.ShapeDtypeStruct((N, N), jnp.float32),
    )(x)


def _iota16():
    return lax.broadcasted_iota(jnp.int32, (L,), 0)


_GATHER_DNUMS = lax.GatherDimensionNumbers(
    offset_dims=(), collapsed_slice_dims=(0,), start_index_map=(0,))


def _shuffle(v, perm):
    return lax.gather(v, perm[:, None], _GATHER_DNUMS, (1,),
                      mode=lax.GatherScatterMode.PROMISE_IN_BOUNDS)


def _vmax16(v):
    for s in (8, 4, 2, 1):
        v = jnp.maximum(v, _shuffle(v, _iota16() ^ s))
    return v


def _vmin16(v):
    for s in (8, 4, 2, 1):
        v = jnp.minimum(v, _shuffle(v, _iota16() ^ s))
    return v


def _topk_into(row_v, topidx_v, iot, big):
    nolane = np.int32(99)

    def csum(c, carry):
        s0, s1 = carry
        b = c * 2 * L
        cmax = _vmax16(jnp.maximum(row_v[pl.ds(b, L)],
                                   row_v[pl.ds(b + L, L)]))
        cl = c & (L - 1)
        g = c >> 4
        s0 = jnp.where(iot == jnp.where(g == 0, cl, nolane), cmax, s0)
        s1 = jnp.where(iot == jnp.where(g == 1, cl, nolane), cmax, s1)
        return s0, s1
    init = row_v[pl.ds(0, L)]
    sm = lax.fori_loop(0, 2 * L, csum, (init, init))

    def extract(k, carry):
        s0, s1, idx_a, idx_b = carry
        gm = _vmax16(jnp.maximum(s0, s1))
        key = jnp.minimum(jnp.where(s0 == gm, iot, big),
                          jnp.where(s1 == gm, iot + L, big))
        cstar = _vmin16(key)
        cs = cstar[0]
        v0 = row_v[pl.ds(cs * 2 * L, L)]
        v1 = row_v[pl.ds(cs * 2 * L + L, L)]
        lane = _vmin16(jnp.minimum(jnp.where(v0 == gm, iot, big),
                                   jnp.where(v1 == gm, iot + L, big)))
        gi = cstar * 2 * L + lane
        v0 = jnp.where(iot == lane, NEG_INF, v0)
        v1 = jnp.where(iot == lane - L, NEG_INF, v1)
        row_v[pl.ds(cs * 2 * L, L)] = v0
        row_v[pl.ds(cs * 2 * L + L, L)] = v1
        nmax = _vmax16(jnp.maximum(v0, v1))
        cl = cs & (L - 1)
        g = cs >> 4
        nolane = np.int32(99)
        s0 = jnp.where(iot == jnp.where(g == 0, cl, nolane), nmax, s0)
        s1 = jnp.where(iot == jnp.where(g == 1, cl, nolane), nmax, s1)
        idx_a = jnp.where(iot == k, gi, idx_a)
        idx_b = jnp.where(iot == k - 8, gi, idx_b)
        return s0, s1, idx_a, idx_b
    carry = lax.fori_loop(0, K, extract, (sm[0], sm[1], iot, iot))
    topidx_v[pl.ds(0, L)] = carry[2]
    topidx_v[pl.ds(8, L)] = carry[3]


def _sum_into(rows_v, acc_v):
    def percc(cc, _):
        def accum(rr, a):
            return a + rows_v[rr, pl.ds(cc * L, L)]
        acc_v[pl.ds(cc * L, L)] = lax.fori_loop(
            1, K, accum, rows_v[0, pl.ds(cc * L, L)], unroll=4)
        return 0
    lax.fori_loop(0, C // L, percc, 0)


def _sc_body(dist_hbm, xt_hbm, nbr_hbm,
             row_a, row_b, tidx_a, tidx_b, gat_a, gat_b, acc_a, acc_b,
             sem_r, sem_ga, sem_gb, sem_oa, sem_ob):
    wid = lax.axis_index("c") * NS + lax.axis_index("s")
    base = wid * RPW
    iot = _iota16()
    big = iot + np.int32(4096)

    pltpu.async_copy(dist_hbm.at[base], row_a, sem_r)
    pltpu.async_copy(dist_hbm.at[base + 1], row_b, sem_r)

    def step(i, _):
        r0 = base + 2 * i
        r1 = r0 + 1
        r2 = jnp.minimum(r0 + 2, base + RPW - 1)
        r3 = jnp.minimum(r0 + 3, base + RPW - 1)
        pltpu.make_async_copy(dist_hbm.at[r0], row_a, sem_r).wait()
        _topk_into(row_a, tidx_a, iot, big)
        pltpu.async_copy(xt_hbm.at[tidx_a], gat_a, sem_ga)
        pltpu.make_async_copy(dist_hbm.at[r1], row_b, sem_r).wait()
        pltpu.async_copy(dist_hbm.at[r2], row_a, sem_r)
        _topk_into(row_b, tidx_b, iot, big)
        pltpu.async_copy(xt_hbm.at[tidx_b], gat_b, sem_gb)
        pltpu.async_copy(dist_hbm.at[r3], row_b, sem_r)

        pltpu.make_async_copy(xt_hbm.at[tidx_a], gat_a, sem_ga).wait()

        @pl.when(i > 0)
        def _():
            pltpu.make_async_copy(acc_a, nbr_hbm.at[r0], sem_oa).wait()
        _sum_into(gat_a, acc_a)
        pltpu.async_copy(acc_a, nbr_hbm.at[r0], sem_oa)

        pltpu.make_async_copy(xt_hbm.at[tidx_b], gat_b, sem_gb).wait()

        @pl.when(i > 0)
        def _():
            pltpu.make_async_copy(acc_b, nbr_hbm.at[r1], sem_ob).wait()
        _sum_into(gat_b, acc_b)
        pltpu.async_copy(acc_b, nbr_hbm.at[r1], sem_ob)
        return 0

    lax.fori_loop(0, RPW // 2, step, 0)
    last = base + RPW - 1
    pltpu.make_async_copy(dist_hbm.at[last], row_a, sem_r).wait()
    pltpu.make_async_copy(dist_hbm.at[last], row_b, sem_r).wait()
    pltpu.make_async_copy(acc_a, nbr_hbm.at[last], sem_oa).wait()
    pltpu.make_async_copy(acc_b, nbr_hbm.at[last], sem_ob).wait()


def _sc_topk_gather(dist, xt):
    mesh = plsc.VectorSubcoreMesh(core_axis_name="c", subcore_axis_name="s",
                                  num_cores=NC, num_subcores=NS)
    f = pl.kernel(
        _sc_body,
        out_type=jax.ShapeDtypeStruct((N, C), jnp.float32),
        mesh=mesh,
        scratch_types=[
            pltpu.VMEM((N,), jnp.float32),
            pltpu.VMEM((N,), jnp.float32),
            pltpu.VMEM((24,), jnp.int32),
            pltpu.VMEM((24,), jnp.int32),
            pltpu.VMEM((24, C), jnp.float32),
            pltpu.VMEM((24, C), jnp.float32),
            pltpu.VMEM((C,), jnp.float32),
            pltpu.VMEM((C,), jnp.float32),
            pltpu.SemaphoreType.DMA,
            pltpu.SemaphoreType.DMA,
            pltpu.SemaphoreType.DMA,
            pltpu.SemaphoreType.DMA,
            pltpu.SemaphoreType.DMA,
        ],
    )
    return f(dist, xt)


def _final_body(xt_ref, epst_ref, nbr_ref, w_ref, o_ref):
    ht = (1.0 + epst_ref[...]) * xt_ref[...] + nbr_ref[...]
    o_ref[...] = lax.dot_general(
        w_ref[...], ht, (((1,), (1,)), ((), ())),
        preferred_element_type=jnp.float32)


def _final(xt, epst, nbr, w2):
    return pl.pallas_call(
        _final_body,
        out_shape=jax.ShapeDtypeStruct((O, N), jnp.float32),
    )(xt, epst, nbr, w2)


def kernel(x, W, eps):
    xt = x.T
    epst = eps[:, :, 0].T
    w2 = W[:, :, 0, 0]
    dist = _dist(x)
    nbr = _sc_topk_gather(dist, xt)
    return _final(xt, epst, nbr, w2)

# --- scband reference (transcript-rebuilt; emitter-appended) ---
"""Pipeline reference for scband-ginmodule-13889924235831 (READ-ONLY COPY).

The authoritative reference and input builder live on the scoring server;
editing this copy changes nothing except your own understanding.
"""

import jax, jax.numpy as jnp
import numpy as np


def knn_jax(x):
    # x: (C, N)
    x2 = jnp.sum(x ** 2, axis=0, keepdims=True)          # (1, N)
    xy = jnp.matmul(x.transpose(1, 0), x)                # (N, N)
    dist = -x2 + 2 * xy - x2.transpose(1, 0)             # (N, N) negative sq-dist
    _, idx = jax.lax.top_k(dist, k=20)                   # (N, 20)
    return idx


def get_graph_feature_jax(x):
    # x: (C, N)
    n_dims = x.shape[0]
    all_pixels = x.shape[1]
    x_feature_maps = jnp.reshape(x, (n_dims, all_pixels))
    idx = knn_jax(x_feature_maps)                        # (N, 20)
    graph_feature_map = x_feature_maps.transpose(1, 0)[idx]  # (N, 20, C) gather
    return graph_feature_map.transpose(2, 0, 1)          # (C, N, 20)


def setup_inputs(seed: int = 0) -> dict:
    key = jax.random.key(seed)
    k_x, k_w = jax.random.split(key)
    C, N, O = 256, 1024, 256
    x = jax.random.normal(k_x, (C, N), dtype=jnp.float32)
    # he_normal init for 1x1 conv weight, matching _init_weights
    W = jax.nn.initializers.he_normal()(k_w, (O, C, 1, 1), dtype=jnp.float32)
    eps = jnp.zeros((C, N, 1), dtype=jnp.float32)
    return {"x": x, "W": W, "eps": eps}


def reference(x, W, eps):
    # GIN aggregation: sum of k-NN neighbor features
    x_knn = get_graph_feature_jax(x)                     # (C, N, 20)
    x_ = jnp.sum(x_knn, axis=-1, keepdims=True)          # (C, N, 1)
    h = (1.0 + eps) * jnp.expand_dims(x, axis=-1) + x_   # (C, N, 1)
    # eqx.nn.Conv2d kernel_size=1, no bias == channel matmul
    out = jnp.einsum('oc,cnw->onw', W[:, :, 0, 0], h)    # (O, N, 1)
    return jnp.squeeze(out, axis=-1)                     # (O, N)

if __name__ == "__main__":
    import jax
    _d = setup_inputs()
    print(jax.jit(kernel)(*tuple(_d.values())))

</pallas_src>

<mosaic_0001>
#map = affine_map<(d0, d1) -> (0, 0)>
module attributes {stable_mosaic.version = 14 : i64} {
  func.func @_sc_body(%arg0: i32, %arg1: i32, %arg2: memref<1024x1024xf32, #tpu.memory_space<hbm>>, %arg3: memref<1024x256xf32, #tpu.memory_space<hbm>>, %arg4: memref<1024x256xf32, #tpu.memory_space<hbm>>, %arg5: memref<1024xf32, #tpu.memory_space<vmem>>, %arg6: memref<1024xf32, #tpu.memory_space<vmem>>, %arg7: memref<24xi32, #tpu.memory_space<vmem>>, %arg8: memref<24xi32, #tpu.memory_space<vmem>>, %arg9: memref<24x256xf32, #tpu.memory_space<vmem>>, %arg10: memref<24x256xf32, #tpu.memory_space<vmem>>, %arg11: memref<256xf32, #tpu.memory_space<vmem>>, %arg12: memref<256xf32, #tpu.memory_space<vmem>>, %arg13: memref<!tpu.dma_semaphore, #tpu.memory_space<semaphore_mem>>, %arg14: memref<!tpu.dma_semaphore, #tpu.memory_space<semaphore_mem>>, %arg15: memref<!tpu.dma_semaphore, #tpu.memory_space<semaphore_mem>>, %arg16: memref<!tpu.dma_semaphore, #tpu.memory_space<semaphore_mem>>, %arg17: memref<!tpu.dma_semaphore, #tpu.memory_space<semaphore_mem>>) attributes {dimension_semantics = [#tpu.dimension_semantics<core_parallel>, #tpu.dimension_semantics<subcore_parallel>], iteration_bounds = array<i64: 2, 16>, scalar_prefetch = 0 : i64, scratch_operands = 13 : i64, tpu.core_type = #tpu.core_type<sc_vector_subcore>, window_params = [{transform_indices = #map}, {transform_indices = #map}, {transform_indices = #map}]} {
    %mul3A = arith.constant 16 : i32
    %mul3A_0 = arith.muli %arg0, %mul3A : i32
    %add3A = arith.addi %mul3A_0, %arg1 : i32
    %mul3A_1 = arith.constant 32 : i32
    %mul3A_2 = arith.muli %add3A, %mul3A_1 : i32
    %iota3A = tpu.iota {dimensions = array<i32: 0>} : vector<16xi32>
    %add3A_3 = arith.constant 4096 : i32
    %add3A_4 = vector.broadcast %add3A_3 : i32 to vector<16xi32>
    %add3A_5 = arith.addi %iota3A, %add3A_4 : vector<16xi32>
    %dma_start3A = arith.constant 0 : i32
    %dma_start3A_6 = tpu.memref_slice %arg2[%mul3A_2, %dma_start3A] : memref<1024x1024xf32, #tpu.memory_space<hbm>> -> memref<1x1024xf32, #tpu.memory_space<hbm>>
    %dma_start3A_7 = tpu.memref_squeeze %dma_start3A_6 : memref<1x1024xf32, #tpu.memory_space<hbm>> -> memref<1024xf32, #tpu.memory_space<hbm>>
    %dma_start3A_8 = arith.constant 0 : i32
    %dma_start3A_9 = tpu.memref_slice %arg2[%mul3A_2, %dma_start3A_8] : memref<1024x1024xf32, #tpu.memory_space<hbm>> -> memref<1x1024xf32, #tpu.memory_space<hbm>>
    %dma_start3A_10 = tpu.memref_squeeze %dma_start3A_9 : memref<1x1024xf32, #tpu.memory_space<hbm>> -> memref<1024xf32, #tpu.memory_space<hbm>>
    tpu.enqueue_dma source(%dma_start3A_10 : memref<1024xf32, #tpu.memory_space<hbm>>) target(%arg5 : memref<1024xf32, #tpu.memory_space<vmem>>) target_semaphore(%arg13 : memref<!tpu.dma_semaphore, #tpu.memory_space<semaphore_mem>>)
    %add3A_11 = arith.constant 1 : i32
    %add3A_12 = arith.addi %mul3A_2, %add3A_11 : i32
    %dma_start3A_13 = arith.constant 0 : i32
    %dma_start3A_14 = tpu.memref_slice %arg2[%add3A_12, %dma_start3A_13] : memref<1024x1024xf32, #tpu.memory_space<hbm>> -> memref<1x1024xf32, #tpu.memory_space<hbm>>
    %dma_start3A_15 = tpu.memref_squeeze %dma_start3A_14 : memref<1x1024xf32, #tpu.memory_space<hbm>> -> memref<1024xf32, #tpu.memory_space<hbm>>
    %dma_start3A_16 = arith.constant 0 : i32
    %dma_start3A_17 = tpu.memref_slice %arg2[%add3A_12, %dma_start3A_16] : memref<1024x1024xf32, #tpu.memory_space<hbm>> -> memref<1x1024xf32, #tpu.memory_space<hbm>>
    %dma_start3A_18 = tpu.memref_squeeze %dma_start3A_17 : memref<1x1024xf32, #tpu.memory_space<hbm>> -> memref<1024xf32, #tpu.memory_space<hbm>>
    tpu.enqueue_dma source(%dma_start3A_18 : memref<1024xf32, #tpu.memory_space<hbm>>) target(%arg6 : memref<1024xf32, #tpu.memory_space<vmem>>) target_semaphore(%arg13 : memref<!tpu.dma_semaphore, #tpu.memory_space<semaphore_mem>>)
    %scan3A = arith.constant 0 : i32
    %scan3A_19 = arith.constant 0 : i32
    %scan3A_20 = arith.constant 16 : i32
    %scan3A_21 = arith.addi %scan3A_19, %scan3A_20 : i32
    %scan3A_22 = arith.constant 1 : i32
    %scan3A_23 = scf.for %scan3A_51 = %scan3A_19 to %scan3A_21 step %scan3A_22 iter_args(%scan3A_52 = %scan3A) -> (i32)  : i32 {
      %mul3A_53 = arith.constant 2 : i32
      %mul3A_54 = arith.muli %mul3A_53, %scan3A_51 : i32
      %add3A_55 = arith.addi %mul3A_2, %mul3A_54 : i32
      %add3A_56 = arith.constant 1 : i32
      %add3A_57 = arith.addi %add3A_55, %add3A_56 : i32
      %add3A_58 = arith.constant 2 : i32
      %add3A_59 = arith.addi %add3A_55, %add3A_58 : i32
      %add3A_60 = arith.constant 32 : i32
      %add3A_61 = arith.addi %mul3A_2, %add3A_60 : i32
      %sub3A_62 = arith.constant 1 : i32
      %sub3A_63 = arith.subi %add3A_61, %sub3A_62 : i32
      %min3A = arith.minsi %add3A_59, %sub3A_63 : i32
      %add3A_64 = arith.constant 3 : i32
      %add3A_65 = arith.addi %add3A_55, %add3A_64 : i32
      %add3A_66 = arith.constant 32 : i32
      %add3A_67 = arith.addi %mul3A_2, %add3A_66 : i32
      %sub3A_68 = arith.constant 1 : i32
      %sub3A_69 = arith.subi %add3A_67, %sub3A_68 : i32
      %min3A_70 = arith.minsi %add3A_65, %sub3A_69 : i32
      %dma_wait3A_71 = arith.constant 0 : i32
      %dma_wait3A_72 = tpu.memref_slice %arg2[%add3A_55, %dma_wait3A_71] : memref<1024x1024xf32, #tpu.memory_space<hbm>> -> memref<1x1024xf32, #tpu.memory_space<hbm>>
      %dma_wait3A_73 = tpu.memref_squeeze %dma_wait3A_72 : memref<1x1024xf32, #tpu.memory_space<hbm>> -> memref<1024xf32, #tpu.memory_space<hbm>>
      %dma_wait3A_74 = arith.constant 0 : i32
      %dma_wait3A_75 = tpu.memref_slice %arg2[%add3A_55, %dma_wait3A_74] : memref<1024x1024xf32, #tpu.memory_space<hbm>> -> memref<1x1024xf32, #tpu.memory_space<hbm>>
      %dma_wait3A_76 = tpu.memref_squeeze %dma_wait3A_75 : memref<1x1024xf32, #tpu.memory_space<hbm>> -> memref<1024xf32, #tpu.memory_space<hbm>>
      tpu.wait_dma2 semaphore(%arg13 : memref<!tpu.dma_semaphore, #tpu.memory_space<semaphore_mem>>) src(%dma_wait3A_76 : memref<1024xf32, #tpu.memory_space<hbm>>) dst(%arg5 : memref<1024xf32, #tpu.memory_space<vmem>>)
      %get3A = arith.constant 0 : index
      %get3A_77 = tpu.vector_load %arg5[%get3A] {strides = array<i32>} : memref<1024xf32, #tpu.memory_space<vmem>>, vector<16xf32>,
      %get3A_78 = vector.shape_cast %get3A_77 : vector<16xf32> to vector<16xf32>
      %scan3A_79 = arith.constant 0 : i32
      %scan3A_80 = arith.constant 32 : i32
      %scan3A_81 = arith.addi %scan3A_79, %scan3A_80 : i32
      %scan3A_82 = arith.constant 1 : i32
      %scan3A_83:2 = scf.for %scan3A_185 = %scan3A_79 to %scan3A_81 step %scan3A_82 iter_args(%scan3A_186 = %get3A_78, %scan3A_187 = %get3A_78) -> (vector<16xf32>, vector<16xf32>)  : i32 {
        %mul3A_188 = arith.constant 2 : i32
        %mul3A_189 = arith.muli %scan3A_185, %mul3A_188 : i32
        %mul3A_190 = arith.constant 16 : i32
        %mul3A_191 = arith.muli %mul3A_189, %mul3A_190 : i32
        %get3A_192 = arith.index_cast %mul3A_191 : i32 to index
        %get3A_193 = tpu.vector_load %arg5[%get3A_192] {strides = array<i32>} : memref<1024xf32, #tpu.memory_space<vmem>>, vector<16xf32>,
        %get3A_194 = vector.shape_cast %get3A_193 : vector<16xf32> to vector<16xf32>
        %add3A_195 = arith.constant 16 : i32
        %add3A_196 = arith.addi %mul3A_191, %add3A_195 : i32
        %get3A_197 = arith.index_cast %add3A_196 : i32 to index
        %get3A_198 = tpu.vector_load %arg5[%get3A_197] {strides = array<i32>} : memref<1024xf32, #tpu.memory_space<vmem>>, vector<16xf32>,
        %get3A_199 = vector.shape_cast %get3A_198 : vector<16xf32> to vector<16xf32>
        %max3A = arith.maximumf %get3A_194, %get3A_199 : vector<16xf32>
        %iota3A_200 = tpu.iota {dimensions = array<i32: 0>} : vector<16xi32>
        %xor3A = arith.constant 8 : i32
        %xor3A_201 = vector.broadcast %xor3A : i32 to vector<16xi32>
        %xor3A_202 = arith.xori %iota3A_200, %xor3A_201 : vector<16xi32>
        %broadcast_in_dim3A = vector.shape_cast %xor3A_202 : vector<16xi32> to vector<16x1xi32>
        %gather3A = vector.shape_cast %broadcast_in_dim3A : vector<16x1xi32> to vector<16xi32>
        %gather3A_203 = tpu.dynamic_gather %max3A[%gather3A] in [0] : vector<16xf32>, vector<16xi32> -> vector<16xf32>
        %max3A_204 = arith.maximumf %max3A, %gather3A_203 : vector<16xf32>
        %iota3A_205 = tpu.iota {dimensions = array<i32: 0>} : vector<16xi32>
        %xor3A_206 = arith.constant 4 : i32
        %xor3A_207 = vector.broadcast %xor3A_206 : i32 to vector<16xi32>
        %xor3A_208 = arith.xori %iota3A_205, %xor3A_207 : vector<16xi32>
        %broadcast_in_dim3A_209 = vector.shape_cast %xor3A_208 : vector<16xi32> to vector<16x1xi32>
        %gather3A_210 = vector.shape_cast %broadcast_in_dim3A_209 : vector<16x1xi32> to vector<16xi32>
        %gather3A_211 = tpu.dynamic_gather %max3A_204[%gather3A_210] in [0] : vector<16xf32>, vector<16xi32> -> vector<16xf32>
        %max3A_212 = arith.maximumf %max3A_204, %gather3A_211 : vector<16xf32>
        %iota3A_213 = tpu.iota {dimensions = array<i32: 0>} : vector<16xi32>
        %xor3A_214 = arith.constant 2 : i32
        %xor3A_215 = vector.broadcast %xor3A_214 : i32 to vector<16xi32>
        %xor3A_216 = arith.xori %iota3A_213, %xor3A_215 : vector<16xi32>
        %broadcast_in_dim3A_217 = vector.shape_cast %xor3A_216 : vector<16xi32> to vector<16x1xi32>
        %gather3A_218 = vector.shape_cast %broadcast_in_dim3A_217 : vector<16x1xi32> to vector<16xi32>
        %gather3A_219 = tpu.dynamic_gather %max3A_212[%gather3A_218] in [0] : vector<16xf32>, vector<16xi32> -> vector<16xf32>
        %max3A_220 = arith.maximumf %max3A_212, %gather3A_219 : vector<16xf32>
        %iota3A_221 = tpu.iota {dimensions = array<i32: 0>} : vector<16xi32>
        %xor3A_222 = arith.constant 1 : i32
        %xor3A_223 = vector.broadcast %xor3A_222 : i32 to vector<16xi32>
        %xor3A_224 = arith.xori %iota3A_221, %xor3A_223 : vector<16xi32>
        %broadcast_in_dim3A_225 = vector.shape_cast %xor3A_224 : vector<16xi32> to vector<16x1xi32>
        %gather3A_226 = vector.shape_cast %broadcast_in_dim3A_225 : vector<16x1xi32> to vector<16xi32>
        %gather3A_227 = tpu.dynamic_gather %max3A_220[%gather3A_226] in [0] : vector<16xf32>, vector<16xi32> -> vector<16xf32>
        %max3A_228 = arith.maximumf %max3A_220, %gather3A_227 : vector<16xf32>
        %and3A = arith.constant 15 : i32
        %and3A_229 = arith.andi %scan3A_185, %and3A : i32
        %shift_right_arithmetic3A = arith.constant 4 : i32
        %shift_right_arithmetic3A_230 = arith.shrsi %scan3A_185, %shift_right_arithmetic3A : i32
        %eq3A = arith.constant 0 : i32
        %eq3A_231 = arith.cmpi eq, %shift_right_arithmetic3A_230, %eq3A : i32
        %jit3A = arith.constant 99 : i32
        %select_n3A = arith.select %eq3A_231, %and3A_229, %jit3A : i32
        %eq3A_232 = vector.broadcast %select_n3A : i32 to vector<16xi32>
        %eq3A_233 = arith.cmpi eq, %iota3A, %eq3A_232 : vector<16xi32>
        %select_n3A_234 = arith.select %eq3A_233, %max3A_228, %scan3A_186 : vector<16xi1>, vector<16xf32>
        %eq3A_235 = arith.constant 1 : i32
        %eq3A_236 = arith.cmpi eq, %shift_right_arithmetic3A_230, %eq3A_235 : i32
        %jit3A_237 = arith.constant 99 : i32
        %select_n3A_238 = arith.select %eq3A_236, %and3A_229, %jit3A_237 : i32
        %eq3A_239 = vector.broadcast %select_n3A_238 : i32 to vector<16xi32>
        %eq3A_240 = arith.cmpi eq, %iota3A, %eq3A_239 : vector<16xi32>
        %select_n3A_241 = arith.select %eq3A_240, %max3A_228, %scan3A_187 : vector<16xi1>, vector<16xf32>
        scf.yield %select_n3A_234, %select_n3A_241 : vector<16xf32>, vector<16xf32>
      }
      %scan3A_84 = arith.constant 32 : i32
      %scan3A_85 = arith.constant 0 : i32
      %scan3A_86 = arith.constant 20 : i32
      %scan3A_87 = arith.addi %scan3A_85, %scan3A_86 : i32
      %scan3A_88 = arith.constant 1 : i32
      %scan3A_89:4 = scf.for %scan3A_185 = %scan3A_85 to %scan3A_87 step %scan3A_88 iter_args(%scan3A_186 = %scan3A_83#0, %scan3A_187 = %scan3A_83#1, %scan3A_188 = %iota3A, %scan3A_189 = %iota3A) -> (vector<16xf32>, vector<16xf32>, vector<16xi32>, vector<16xi32>)  : i32 {
        %max3A = arith.maximumf %scan3A_186, %scan3A_187 : vector<16xf32>
        %iota3A_190 = tpu.iota {dimensions = array<i32: 0>} : vector<16xi32>
        %xor3A = arith.constant 8 : i32
        %xor3A_191 = vector.broadcast %xor3A : i32 to vector<16xi32>
        %xor3A_192 = arith.xori %iota3A_190, %xor3A_191 : vector<16xi32>
        %broadcast_in_dim3A = vector.shape_cast %xor3A_192 : vector<16xi32> to vector<16x1xi32>
        %gather3A = vector.shape_cast %broadcast_in_dim3A : vector<16x1xi32> to vector<16xi32>
        %gather3A_193 = tpu.dynamic_gather %max3A[%gather3A] in [0] : vector<16xf32>, vector<16xi32> -> vector<16xf32>
        %max3A_194 = arith.maximumf %max3A, %gather3A_193 : vector<16xf32>
        %iota3A_195 = tpu.iota {dimensions = array<i32: 0>} : vector<16xi32>
        %xor3A_196 = arith.constant 4 : i32
        %xor3A_197 = vector.broadcast %xor3A_196 : i32 to vector<16xi32>
        %xor3A_198 = arith.xori %iota3A_195, %xor3A_197 : vector<16xi32>
        %broadcast_in_dim3A_199 = vector.shape_cast %xor3A_198 : vector<16xi32> to vector<16x1xi32>
        %gather3A_200 = vector.shape_cast %broadcast_in_dim3A_199 : vector<16x1xi32> to vector<16xi32>
        %gather3A_201 = tpu.dynamic_gather %max3A_194[%gather3A_200] in [0] : vector<16xf32>, vector<16xi32> -> vector<16xf32>
        %max3A_202 = arith.maximumf %max3A_194, %gather3A_201 : vector<16xf32>
        %iota3A_203 = tpu.iota {dimensions = array<i32: 0>} : vector<16xi32>
        %xor3A_204 = arith.constant 2 : i32
        %xor3A_205 = vector.broadcast %xor3A_204 : i32 to vector<16xi32>
        %xor3A_206 = arith.xori %iota3A_203, %xor3A_205 : vector<16xi32>
        %broadcast_in_dim3A_207 = vector.shape_cast %xor3A_206 : vector<16xi32> to vector<16x1xi32>
        %gather3A_208 = vector.shape_cast %broadcast_in_dim3A_207 : vector<16x1xi32> to vector<16xi32>
        %gather3A_209 = tpu.dynamic_gather %max3A_202[%gather3A_208] in [0] : vector<16xf32>, vector<16xi32> -> vector<16xf32>
        %max3A_210 = arith.maximumf %max3A_202, %gather3A_209 : vector<16xf32>
        %iota3A_211 = tpu.iota {dimensions = array<i32: 0>} : vector<16xi32>
        %xor3A_212 = arith.constant 1 : i32
        %xor3A_213 = vector.broadcast %xor3A_212 : i32 to vector<16xi32>
        %xor3A_214 = arith.xori %iota3A_211, %xor3A_213 : vector<16xi32>
        %broadcast_in_dim3A_215 = vector.shape_cast %xor3A_214 : vector<16xi32> to vector<16x1xi32>
        %gather3A_216 = vector.shape_cast %broadcast_in_dim3A_215 : vector<16x1xi32> to vector<16xi32>
        %gather3A_217 = tpu.dynamic_gather %max3A_210[%gather3A_216] in [0] : vector<16xf32>, vector<16xi32> -> vector<16xf32>
        %max3A_218 = arith.maximumf %max3A_210, %gather3A_217 : vector<16xf32>
        %eq3A = arith.cmpf oeq, %scan3A_186, %max3A_218 : vector<16xf32>
        %select_n3A = arith.select %eq3A, %iota3A, %add3A_5 : vector<16xi1>, vector<16xi32>
        %eq3A_219 = arith.cmpf oeq, %scan3A_187, %max3A_218 : vector<16xf32>
        %add3A_220 = arith.constant 16 : i32
        %add3A_221 = vector.broadcast %add3A_220 : i32 to vector<16xi32>
        %add3A_222 = arith.addi %iota3A, %add3A_221 : vector<16xi32>
        %select_n3A_223 = arith.select %eq3A_219, %add3A_222, %add3A_5 : vector<16xi1>, vector<16xi32>
        %min3A_224 = arith.minsi %select_n3A, %select_n3A_223 : vector<16xi32>
        %iota3A_225 = tpu.iota {dimensions = array<i32: 0>} : vector<16xi32>
        %xor3A_226 = arith.constant 8 : i32
        %xor3A_227 = vector.broadcast %xor3A_226 : i32 to vector<16xi32>
        %xor3A_228 = arith.xori %iota3A_225, %xor3A_227 : vector<16xi32>
        %broadcast_in_dim3A_229 = vector.shape_cast %xor3A_228 : vector<16xi32> to vector<16x1xi32>
        %gather3A_230 = vector.shape_cast %broadcast_in_dim3A_229 : vector<16x1xi32> to vector<16xi32>
        %gather3A_231 = tpu.dynamic_gather %min3A_224[%gather3A_230] in [0] : vector<16xi32>, vector<16xi32> -> vector<16xi32>
        %min3A_232 = arith.minsi %min3A_224, %gather3A_231 : vector<16xi32>
        %iota3A_233 = tpu.iota {dimensions = array<i32: 0>} : vector<16xi32>
        %xor3A_234 = arith.constant 4 : i32
        %xor3A_235 = vector.broadcast %xor3A_234 : i32 to vector<16xi32>
        %xor3A_236 = arith.xori %iota3A_233, %xor3A_235 : vector<16xi32>
        %broadcast_in_dim3A_237 = vector.shape_cast %xor3A_236 : vector<16xi32> to vector<16x1xi32>
        %gather3A_238 = vector.shape_cast %broadcast_in_dim3A_237 : vector<16x1xi32> to vector<16xi32>
        %gather3A_239 = tpu.dynamic_gather %min3A_232[%gather3A_238] in [0] : vector<16xi32>, vector<16xi32> -> vector<16xi32>
        %min3A_240 = arith.minsi %min3A_232, %gather3A_239 : vector<16xi32>
        %iota3A_241 = tpu.iota {dimensions = array<i32: 0>} : vector<16xi32>
        %xor3A_242 = arith.constant 2 : i32
        %xor3A_243 = vector.broadcast %xor3A_242 : i32 to vector<16xi32>
        %xor3A_244 = arith.xori %iota3A_241, %xor3A_243 : vector<16xi32>
        %broadcast_in_dim3A_245 = vector.shape_cast %xor3A_244 : vector<16xi32> to vector<16x1xi32>
        %gather3A_246 = vector.shape_cast %broadcast_in_dim3A_245 : vector<16x1xi32> to vector<16xi32>
        %gather3A_247 = tpu.dynamic_gather %min3A_240[%gather3A_246] in [0] : vector<16xi32>, vector<16xi32> -> vector<16xi32>
        %min3A_248 = arith.minsi %min3A_240, %gather3A_247 : vector<16xi32>
        %iota3A_249 = tpu.iota {dimensions = array<i32: 0>} : vector<16xi32>
        %xor3A_250 = arith.constant 1 : i32
        %xor3A_251 = vector.broadcast %xor3A_250 : i32 to vector<16xi32>
        %xor3A_252 = arith.xori %iota3A_249, %xor3A_251 : vector<16xi32>
        %broadcast_in_dim3A_253 = vector.shape_cast %xor3A_252 : vector<16xi32> to vector<16x1xi32>
        %gather3A_254 = vector.shape_cast %broadcast_in_dim3A_253 : vector<16x1xi32> to vector<16xi32>
        %gather3A_255 = tpu.dynamic_gather %min3A_248[%gather3A_254] in [0] : vector<16xi32>, vector<16xi32> -> vector<16xi32>
        %min3A_256 = arith.minsi %min3A_248, %gather3A_255 : vector<16xi32>
        %slice3A = vector.extract_strided_slice %min3A_256 {offsets = [0], sizes = [1], strides = [1]} : vector<16xi32> to vector<1xi32>
        %squeeze3A = vector.extract %slice3A[0] : i32 from vector<1xi32>
        %mul3A_257 = arith.constant 2 : i32
        %mul3A_258 = arith.muli %squeeze3A, %mul3A_257 : i32
        %mul3A_259 = arith.constant 16 : i32
        %mul3A_260 = arith.muli %mul3A_258, %mul3A_259 : i32
        %get3A_261 = arith.index_cast %mul3A_260 : i32 to index
        %get3A_262 = tpu.vector_load %arg5[%get3A_261] {strides = array<i32>} : memref<1024xf32, #tpu.memory_space<vmem>>, vector<16xf32>,
        %get3A_263 = vector.shape_cast %get3A_262 : vector<16xf32> to vector<16xf32>
        %mul3A_264 = arith.constant 2 : i32
        %mul3A_265 = arith.muli %squeeze3A, %mul3A_264 : i32
        %mul3A_266 = arith.constant 16 : i32
        %mul3A_267 = arith.muli %mul3A_265, %mul3A_266 : i32
        %add3A_268 = arith.constant 16 : i32
        %add3A_269 = arith.addi %mul3A_267, %add3A_268 : i32
        %get3A_270 = arith.index_cast %add3A_269 : i32 to index
        %get3A_271 = tpu.vector_load %arg5[%get3A_270] {strides = array<i32>} : memref<1024xf32, #tpu.memory_space<vmem>>, vector<16xf32>,
        %get3A_272 = vector.shape_cast %get3A_271 : vector<16xf32> to vector<16xf32>
        %eq3A_273 = arith.cmpf oeq, %get3A_263, %max3A_218 : vector<16xf32>
        %select_n3A_274 = arith.select %eq3A_273, %iota3A, %add3A_5 : vector<16xi1>, vector<16xi32>
        %eq3A_275 = arith.cmpf oeq, %get3A_272, %max3A_218 : vector<16xf32>
        %add3A_276 = arith.constant 16 : i32
        %add3A_277 = vector.broadcast %add3A_276 : i32 to vector<16xi32>
        %add3A_278 = arith.addi %iota3A, %add3A_277 : vector<16xi32>
        %select_n3A_279 = arith.select %eq3A_275, %add3A_278, %add3A_5 : vector<16xi1>, vector<16xi32>
        %min3A_280 = arith.minsi %select_n3A_274, %select_n3A_279 : vector<16xi32>
        %iota3A_281 = tpu.iota {dimensions = array<i32: 0>} : vector<16xi32>
        %xor3A_282 = arith.constant 8 : i32
        %xor3A_283 = vector.broadcast %xor3A_282 : i32 to vector<16xi32>
        %xor3A_284 = arith.xori %iota3A_281, %xor3A_283 : vector<16xi32>
        %broadcast_in_dim3A_285 = vector.shape_cast %xor3A_284 : vector<16xi32> to vector<16x1xi32>
        %gather3A_286 = vector.shape_cast %broadcast_in_dim3A_285 : vector<16x1xi32> to vector<16xi32>
        %gather3A_287 = tpu.dynamic_gather %min3A_280[%gather3A_286] in [0] : vector<16xi32>, vector<16xi32> -> vector<16xi32>
        %min3A_288 = arith.minsi %min3A_280, %gather3A_287 : vector<16xi32>
        %iota3A_289 = tpu.iota {dimensions = array<i32: 0>} : vector<16xi32>
        %xor3A_290 = arith.constant 4 : i32
        %xor3A_291 = vector.broadcast %xor3A_290 : i32 to vector<16xi32>
        %xor3A_292 = arith.xori %iota3A_289, %xor3A_291 : vector<16xi32>
        %broadcast_in_dim3A_293 = vector.shape_cast %xor3A_292 : vector<16xi32> to vector<16x1xi32>
        %gather3A_294 = vector.shape_cast %broadcast_in_dim3A_293 : vector<16x1xi32> to vector<16xi32>
        %gather3A_295 = tpu.dynamic_gather %min3A_288[%gather3A_294] in [0] : vector<16xi32>, vector<16xi32> -> vector<16xi32>
        %min3A_296 = arith.minsi %min3A_288, %gather3A_295 : vector<16xi32>
        %iota3A_297 = tpu.iota {dimensions = array<i32: 0>} : vector<16xi32>
        %xor3A_298 = arith.constant 2 : i32
        %xor3A_299 = vector.broadcast %xor3A_298 : i32 to vector<16xi32>
        %xor3A_300 = arith.xori %iota3A_297, %xor3A_299 : vector<16xi32>
        %broadcast_in_dim3A_301 = vector.shape_cast %xor3A_300 : vector<16xi32> to vector<16x1xi32>
        %gather3A_302 = vector.shape_cast %broadcast_in_dim3A_301 : vector<16x1xi32> to vector<16xi32>
        %gather3A_303 = tpu.dynamic_gather %min3A_296[%gather3A_302] in [0] : vector<16xi32>, vector<16xi32> -> vector<16xi32>
        %min3A_304 = arith.minsi %min3A_296, %gather3A_303 : vector<16xi32>
        %iota3A_305 = tpu.iota {dimensions = array<i32: 0>} : vector<16xi32>
        %xor3A_306 = arith.constant 1 : i32
        %xor3A_307 = vector.broadcast %xor3A_306 : i32 to vector<16xi32>
        %xor3A_308 = arith.xori %iota3A_305, %xor3A_307 : vector<16xi32>
        %broadcast_in_dim3A_309 = vector.shape_cast %xor3A_308 : vector<16xi32> to vector<16x1xi32>
        %gather3A_310 = vector.shape_cast %broadcast_in_dim3A_309 : vector<16x1xi32> to vector<16xi32>
        %gather3A_311 = tpu.dynamic_gather %min3A_304[%gather3A_310] in [0] : vector<16xi32>, vector<16xi32> -> vector<16xi32>
        %min3A_312 = arith.minsi %min3A_304, %gather3A_311 : vector<16xi32>
        %mul3A_313 = arith.constant 2 : i32
        %mul3A_314 = vector.broadcast %mul3A_313 : i32 to vector<16xi32>
        %mul3A_315 = arith.muli %min3A_256, %mul3A_314 : vector<16xi32>
        %mul3A_316 = arith.constant 16 : i32
        %mul3A_317 = vector.broadcast %mul3A_316 : i32 to vector<16xi32>
        %mul3A_318 = arith.muli %mul3A_315, %mul3A_317 : vector<16xi32>
        %add3A_319 = arith.addi %mul3A_318, %min3A_312 : vector<16xi32>
        %eq3A_320 = arith.cmpi eq, %iota3A, %min3A_312 : vector<16xi32>
        %jit3A = arith.constant 0xFF800000 : f32
        %broadcast_in_dim3A_321 = vector.broadcast %jit3A : f32 to vector<16xf32>
        %select_n3A_322 = arith.select %eq3A_320, %broadcast_in_dim3A_321, %get3A_263 : vector<16xi1>, vector<16xf32>
        %sub3A_323 = arith.constant 16 : i32
        %sub3A_324 = vector.broadcast %sub3A_323 : i32 to vector<16xi32>
        %sub3A_325 = arith.subi %min3A_312, %sub3A_324 : vector<16xi32>
        %eq3A_326 = arith.cmpi eq, %iota3A, %sub3A_325 : vector<16xi32>
        %jit3A_327 = arith.constant 0xFF800000 : f32
        %broadcast_in_dim3A_328 = vector.broadcast %jit3A_327 : f32 to vector<16xf32>
        %select_n3A_329 = arith.select %eq3A_326, %broadcast_in_dim3A_328, %get3A_272 : vector<16xi1>, vector<16xf32>
        %mul3A_330 = arith.constant 2 : i32
        %mul3A_331 = arith.muli %squeeze3A, %mul3A_330 : i32
        %mul3A_332 = arith.constant 16 : i32
        %mul3A_333 = arith.muli %mul3A_331, %mul3A_332 : i32
        %swap3A_334 = arith.index_cast %mul3A_333 : i32 to index
        %swap3A_335 = tpu.vector_load %arg5[%swap3A_334] {strides = array<i32>} : memref<1024xf32, #tpu.memory_space<vmem>>, vector<16xf32>,
        %swap3A_336 = vector.shape_cast %swap3A_335 : vector<16xf32> to vector<16xf32>
        %swap3A_337 = vector.shape_cast %select_n3A_322 : vector<16xf32> to vector<16xf32>
        tpu.vector_store %arg5[%swap3A_334], %swap3A_337 {strides = array<i32>} : memref<1024xf32, #tpu.memory_space<vmem>>, vector<16xf32>,
        %mul3A_338 = arith.constant 2 : i32
        %mul3A_339 = arith.muli %squeeze3A, %mul3A_338 : i32
        %mul3A_340 = arith.constant 16 : i32
        %mul3A_341 = arith.muli %mul3A_339, %mul3A_340 : i32
        %add3A_342 = arith.constant 16 : i32
        %add3A_343 = arith.addi %mul3A_341, %add3A_342 : i32
        %swap3A_344 = arith.index_cast %add3A_343 : i32 to index
        %swap3A_345 = tpu.vector_load %arg5[%swap3A_344] {strides = array<i32>} : memref<1024xf32, #tpu.memory_space<vmem>>, vector<16xf32>,
        %swap3A_346 = vector.shape_cast %swap3A_345 : vector<16xf32> to vector<16xf32>
        %swap3A_347 = vector.shape_cast %select_n3A_329 : vector<16xf32> to vector<16xf32>
        tpu.vector_store %arg5[%swap3A_344], %swap3A_347 {strides = array<i32>} : memref<1024xf32, #tpu.memory_space<vmem>>, vector<16xf32>,
        %max3A_348 = arith.maximumf %select_n3A_322, %select_n3A_329 : vector<16xf32>
        %iota3A_349 = tpu.iota {dimensions = array<i32: 0>} : vector<16xi32>
        %xor3A_350 = arith.constant 8 : i32
        %xor3A_351 = vector.broadcast %xor3A_350 : i32 to vector<16xi32>
        %xor3A_352 = arith.xori %iota3A_349, %xor3A_351 : vector<16xi32>
        %broadcast_in_dim3A_353 = vector.shape_cast %xor3A_352 : vector<16xi32> to vector<16x1xi32>
        %gather3A_354 = vector.shape_cast %broadcast_in_dim3A_353 : vector<16x1xi32> to vector<16xi32>
        %gather3A_355 = tpu.dynamic_gather %max3A_348[%gather3A_354] in [0] : vector<16xf32>, vector<16xi32> -> vector<16xf32>
        %max3A_356 = arith.maximumf %max3A_348, %gather3A_355 : vector<16xf32>
        %iota3A_357 = tpu.iota {dimensions = array<i32: 0>} : vector<16xi32>
        %xor3A_358 = arith.constant 4 : i32
        %xor3A_359 = vector.broadcast %xor3A_358 : i32 to vector<16xi32>
        %xor3A_360 = arith.xori %iota3A_357, %xor3A_359 : vector<16xi32>
        %broadcast_in_dim3A_361 = vector.shape_cast %xor3A_360 : vector<16xi32> to vector<16x1xi32>
        %gather3A_362 = vector.shape_cast %broadcast_in_dim3A_361 : vector<16x1xi32> to vector<16xi32>
        %gather3A_363 = tpu.dynamic_gather %max3A_356[%gather3A_362] in [0] : vector<16xf32>, vector<16xi32> -> vector<16xf32>
        %max3A_364 = arith.maximumf %max3A_356, %gather3A_363 : vector<16xf32>
        %iota3A_365 = tpu.iota {dimensions = array<i32: 0>} : vector<16xi32>
        %xor3A_366 = arith.constant 2 : i32
        %xor3A_367 = vector.broadcast %xor3A_366 : i32 to vector<16xi32>
        %xor3A_368 = arith.xori %iota3A_365, %xor3A_367 : vector<16xi32>
        %broadcast_in_dim3A_369 = vector.shape_cast %xor3A_368 : vector<16xi32> to vector<16x1xi32>
        %gather3A_370 = vector.shape_cast %broadcast_in_dim3A_369 : vector<16x1xi32> to vector<16xi32>
        %gather3A_371 = tpu.dynamic_gather %max3A_364[%gather3A_370] in [0] : vector<16xf32>, vector<16xi32> -> vector<16xf32>
        %max3A_372 = arith.maximumf %max3A_364, %gather3A_371 : vector<16xf32>
        %iota3A_373 = tpu.iota {dimensions = array<i32: 0>} : vector<16xi32>
        %xor3A_374 = arith.constant 1 : i32
        %xor3A_375 = vector.broadcast %xor3A_374 : i32 to vector<16xi32>
        %xor3A_376 = arith.xori %iota3A_373, %xor3A_375 : vector<16xi32>
        %broadcast_in_dim3A_377 = vector.shape_cast %xor3A_376 : vector<16xi32> to vector<16x1xi32>
        %gather3A_378 = vector.shape_cast %broadcast_in_dim3A_377 : vector<16x1xi32> to vector<16xi32>
        %gather3A_379 = tpu.dynamic_gather %max3A_372[%gather3A_378] in [0] : vector<16xf32>, vector<16xi32> -> vector<16xf32>
        %max3A_380 = arith.maximumf %max3A_372, %gather3A_379 : vector<16xf32>
        %and3A = arith.constant 15 : i32
        %and3A_381 = arith.andi %squeeze3A, %and3A : i32
        %shift_right_arithmetic3A = arith.constant 4 : i32
        %shift_right_arithmetic3A_382 = arith.shrsi %squeeze3A, %shift_right_arithmetic3A : i32
        %eq3A_383 = arith.constant 0 : i32
        %eq3A_384 = arith.cmpi eq, %shift_right_arithmetic3A_382, %eq3A_383 : i32
        %jit3A_385 = arith.constant 99 : i32
        %select_n3A_386 = arith.select %eq3A_384, %and3A_381, %jit3A_385 : i32
        %eq3A_387 = vector.broadcast %select_n3A_386 : i32 to vector<16xi32>
        %eq3A_388 = arith.cmpi eq, %iota3A, %eq3A_387 : vector<16xi32>
        %select_n3A_389 = arith.select %eq3A_388, %max3A_380, %scan3A_186 : vector<16xi1>, vector<16xf32>
        %eq3A_390 = arith.constant 1 : i32
        %eq3A_391 = arith.cmpi eq, %shift_right_arithmetic3A_382, %eq3A_390 : i32
        %jit3A_392 = arith.constant 99 : i32
        %select_n3A_393 = arith.select %eq3A_391, %and3A_381, %jit3A_392 : i32
        %eq3A_394 = vector.broadcast %select_n3A_393 : i32 to vector<16xi32>
        %eq3A_395 = arith.cmpi eq, %iota3A, %eq3A_394 : vector<16xi32>
        %select_n3A_396 = arith.select %eq3A_395, %max3A_380, %scan3A_187 : vector<16xi1>, vector<16xf32>
        %eq3A_397 = vector.broadcast %scan3A_185 : i32 to vector<16xi32>
        %eq3A_398 = arith.cmpi eq, %iota3A, %eq3A_397 : vector<16xi32>
        %select_n3A_399 = arith.select %eq3A_398, %add3A_319, %scan3A_188 : vector<16xi1>, vector<16xi32>
        %sub3A_400 = arith.constant 8 : i32
        %sub3A_401 = arith.subi %scan3A_185, %sub3A_400 : i32
        %eq3A_402 = vector.broadcast %sub3A_401 : i32 to vector<16xi32>
        %eq3A_403 = arith.cmpi eq, %iota3A, %eq3A_402 : vector<16xi32>
        %select_n3A_404 = arith.select %eq3A_403, %add3A_319, %scan3A_189 : vector<16xi1>, vector<16xi32>
        scf.yield %select_n3A_389, %select_n3A_396, %select_n3A_399, %select_n3A_404 : vector<16xf32>, vector<16xf32>, vector<16xi32>, vector<16xi32>
      }
      %scan3A_90 = arith.constant 20 : i32
      %swap3A = arith.constant 0 : index
      %swap3A_91 = tpu.vector_load %arg7[%swap3A] {strides = array<i32>} : memref<24xi32, #tpu.memory_space<vmem>>, vector<16xi32>,
      %swap3A_92 = vector.shape_cast %swap3A_91 : vector<16xi32> to vector<16xi32>
      %swap3A_93 = vector.shape_cast %scan3A_89#2 : vector<16xi32> to vector<16xi32>
      tpu.vector_store %arg7[%swap3A], %swap3A_93 {strides = array<i32>} : memref<24xi32, #tpu.memory_space<vmem>>, vector<16xi32>,
      %swap3A_94 = arith.constant 8 : index
      %swap3A_95 = tpu.vector_load %arg7[%swap3A_94] {strides = array<i32>} : memref<24xi32, #tpu.memory_space<vmem>>, vector<16xi32>,
      %swap3A_96 = vector.shape_cast %swap3A_95 : vector<16xi32> to vector<16xi32>
      %swap3A_97 = vector.shape_cast %scan3A_89#3 : vector<16xi32> to vector<16xi32>
      tpu.vector_store %arg7[%swap3A_94], %swap3A_97 {strides = array<i32>} : memref<24xi32, #tpu.memory_space<vmem>>, vector<16xi32>,
      %dma_start3A_98 = arith.constant 0 : i32
      %dma_start3A_99 = arith.constant 0 : i32
      %dma_start3A_100 = tpu.memref_slice %arg3[%dma_start3A_98, %dma_start3A_99] : memref<1024x256xf32, #tpu.memory_space<hbm>> -> memref<1024x256xf32, #tpu.memory_space<hbm>>
      tpu.enqueue_indirect_dma source(%dma_start3A_100 : memref<1024x256xf32, #tpu.memory_space<hbm>>) target(%arg9 : memref<24x256xf32, #tpu.memory_space<vmem>>) offsets(%arg7 : memref<24xi32, #tpu.memory_space<vmem>>) semaphore(%arg14 : memref<!tpu.dma_semaphore, #tpu.memory_space<semaphore_mem>>)
      %dma_wait3A_101 = arith.constant 0 : i32
      %dma_wait3A_102 = tpu.memref_slice %arg2[%add3A_57, %dma_wait3A_101] : memref<1024x1024xf32, #tpu.memory_space<hbm>> -> memref<1x1024xf32, #tpu.memory_space<hbm>>
      %dma_wait3A_103 = tpu.memref_squeeze %dma_wait3A_102 : memref<1x1024xf32, #tpu.memory_space<hbm>> -> memref<1024xf32, #tpu.memory_space<hbm>>
      %dma_wait3A_104 = arith.constant 0 : i32
      %dma_wait3A_105 = tpu.memref_slice %arg2[%add3A_57, %dma_wait3A_104] : memref<1024x1024xf32, #tpu.memory_space<hbm>> -> memref<1x1024xf32, #tpu.memory_space<hbm>>
      %dma_wait3A_106 = tpu.memref_squeeze %dma_wait3A_105 : memref<1x1024xf32, #tpu.memory_space<hbm>> -> memref<1024xf32, #tpu.memory_space<hbm>>
      tpu.wait_dma2 semaphore(%arg13 : memref<!tpu.dma_semaphore, #tpu.memory_space<semaphore_mem>>) src(%dma_wait3A_106 : memref<1024xf32, #tpu.memory_space<hbm>>) dst(%arg6 : memref<1024xf32, #tpu.memory_space<vmem>>)
      %dma_start3A_107 = arith.constant 0 : i32
      %dma_start3A_108 = tpu.memref_slice %arg2[%min3A, %dma_start3A_107] : memref<1024x1024xf32, #tpu.memory_space<hbm>> -> memref<1x1024xf32, #tpu.memory_space<hbm>>
      %dma_start3A_109 = tpu.memref_squeeze %dma_start3A_108 : memref<1x1024xf32, #tpu.memory_space<hbm>> -> memref<1024xf32, #tpu.memory_space<hbm>>
      %dma_start3A_110 = arith.constant 0 : i32
      %dma_start3A_111 = tpu.memref_slice %arg2[%min3A, %dma_start3A_110] : memref<1024x1024xf32, #tpu.memory_space<hbm>> -> memref<1x1024xf32, #tpu.memory_space<hbm>>
      %dma_start3A_112 = tpu.memref_squeeze %dma_start3A_111 : memref<1x1024xf32, #tpu.memory_space<hbm>> -> memref<1024xf32, #tpu.memory_space<hbm>>
      tpu.enqueue_dma source(%dma_start3A_112 : memref<1024xf32, #tpu.memory_space<hbm>>) target(%arg5 : memref<1024xf32, #tpu.memory_space<vmem>>) target_semaphore(%arg13 : memref<!tpu.dma_semaphore, #tpu.memory_space<semaphore_mem>>)
      %get3A_113 = arith.constant 0 : index
      %get3A_114 = tpu.vector_load %arg6[%get3A_113] {strides = array<i32>} : memref<1024xf32, #tpu.memory_space<vmem>>, vector<16xf32>,
      %get3A_115 = vector.shape_cast %get3A_114 : vector<16xf32> to vector<16xf32>
      %scan3A_116 = arith.constant 0 : i32
      %scan3A_117 = arith.constant 32 : i32
      %scan3A_118 = arith.addi %scan3A_116, %scan3A_117 : i32
      %scan3A_119 = arith.constant 1 : i32
      %scan3A_120:2 = scf.for %scan3A_185 = %scan3A_116 to %scan3A_118 step %scan3A_119 iter_args(%scan3A_186 = %get3A_115, %scan3A_187 = %get3A_115) -> (vector<16xf32>, vector<16xf32>)  : i32 {
        %mul3A_188 = arith.constant 2 : i32
        %mul3A_189 = arith.muli %scan3A_185, %mul3A_188 : i32
        %mul3A_190 = arith.constant 16 : i32
        %mul3A_191 = arith.muli %mul3A_189, %mul3A_190 : i32
        %get3A_192 = arith.index_cast %mul3A_191 : i32 to index
        %get3A_193 = tpu.vector_load %arg6[%get3A_192] {strides = array<i32>} : memref<1024xf32, #tpu.memory_space<vmem>>, vector<16xf32>,
        %get3A_194 = vector.shape_cast %get3A_193 : vector<16xf32> to vector<16xf32>
        %add3A_195 = arith.constant 16 : i32
        %add3A_196 = arith.addi %mul3A_191, %add3A_195 : i32
        %get3A_197 = arith.index_cast %add3A_196 : i32 to index
        %get3A_198 = tpu.vector_load %arg6[%get3A_197] {strides = array<i32>} : memref<1024xf32, #tpu.memory_space<vmem>>, vector<16xf32>,
        %get3A_199 = vector.shape_cast %get3A_198 : vector<16xf32> to vector<16xf32>
        %max3A = arith.maximumf %get3A_194, %get3A_199 : vector<16xf32>
        %iota3A_200 = tpu.iota {dimensions = array<i32: 0>} : vector<16xi32>
        %xor3A = arith.constant 8 : i32
        %xor3A_201 = vector.broadcast %xor3A : i32 to vector<16xi32>
        %xor3A_202 = arith.xori %iota3A_200, %xor3A_201 : vector<16xi32>
        %broadcast_in_dim3A = vector.shape_cast %xor3A_202 : vector<16xi32> to vector<16x1xi32>
        %gather3A = vector.shape_cast %broadcast_in_dim3A : vector<16x1xi32> to vector<16xi32>
        %gather3A_203 = tpu.dynamic_gather %max3A[%gather3A] in [0] : vector<16xf32>, vector<16xi32> -> vector<16xf32>
        %max3A_204 = arith.maximumf %max3A, %gather3A_203 : vector<16xf32>
        %iota3A_205 = tpu.iota {dimensions = array<i32: 0>} : vector<16xi32>
        %xor3A_206 = arith.constant 4 : i32
        %xor3A_207 = vector.broadcast %xor3A_206 : i32 to vector<16xi32>
        %xor3A_208 = arith.xori %iota3A_205, %xor3A_207 : vector<16xi32>
        %broadcast_in_dim3A_209 = vector.shape_cast %xor3A_208 : vector<16xi32> to vector<16x1xi32>
        %gather3A_210 = vector.shape_cast %broadcast_in_dim3A_209 : vector<16x1xi32> to vector<16xi32>
        %gather3A_211 = tpu.dynamic_gather %max3A_204[%gather3A_210] in [0] : vector<16xf32>, vector<16xi32> -> vector<16xf32>
        %max3A_212 = arith.maximumf %max3A_204, %gather3A_211 : vector<16xf32>
        %iota3A_213 = tpu.iota {dimensions = array<i32: 0>} : vector<16xi32>
        %xor3A_214 = arith.constant 2 : i32
        %xor3A_215 = vector.broadcast %xor3A_214 : i32 to vector<16xi32>
        %xor3A_216 = arith.xori %iota3A_213, %xor3A_215 : vector<16xi32>
        %broadcast_in_dim3A_217 = vector.shape_cast %xor3A_216 : vector<16xi32> to vector<16x1xi32>
        %gather3A_218 = vector.shape_cast %broadcast_in_dim3A_217 : vector<16x1xi32> to vector<16xi32>
        %gather3A_219 = tpu.dynamic_gather %max3A_212[%gather3A_218] in [0] : vector<16xf32>, vector<16xi32> -> vector<16xf32>
        %max3A_220 = arith.maximumf %max3A_212, %gather3A_219 : vector<16xf32>
        %iota3A_221 = tpu.iota {dimensions = array<i32: 0>} : vector<16xi32>
        %xor3A_222 = arith.constant 1 : i32
        %xor3A_223 = vector.broadcast %xor3A_222 : i32 to vector<16xi32>
        %xor3A_224 = arith.xori %iota3A_221, %xor3A_223 : vector<16xi32>
        %broadcast_in_dim3A_225 = vector.shape_cast %xor3A_224 : vector<16xi32> to vector<16x1xi32>
        %gather3A_226 = vector.shape_cast %broadcast_in_dim3A_225 : vector<16x1xi32> to vector<16xi32>
        %gather3A_227 = tpu.dynamic_gather %max3A_220[%gather3A_226] in [0] : vector<16xf32>, vector<16xi32> -> vector<16xf32>
        %max3A_228 = arith.maximumf %max3A_220, %gather3A_227 : vector<16xf32>
        %and3A = arith.constant 15 : i32
        %and3A_229 = arith.andi %scan3A_185, %and3A : i32
        %shift_right_arithmetic3A = arith.constant 4 : i32
        %shift_right_arithmetic3A_230 = arith.shrsi %scan3A_185, %shift_right_arithmetic3A : i32
        %eq3A = arith.constant 0 : i32
        %eq3A_231 = arith.cmpi eq, %shift_right_arithmetic3A_230, %eq3A : i32
        %jit3A = arith.constant 99 : i32
        %select_n3A = arith.select %eq3A_231, %and3A_229, %jit3A : i32
        %eq3A_232 = vector.broadcast %select_n3A : i32 to vector<16xi32>
        %eq3A_233 = arith.cmpi eq, %iota3A, %eq3A_232 : vector<16xi32>
        %select_n3A_234 = arith.select %eq3A_233, %max3A_228, %scan3A_186 : vector<16xi1>, vector<16xf32>
        %eq3A_235 = arith.constant 1 : i32
        %eq3A_236 = arith.cmpi eq, %shift_right_arithmetic3A_230, %eq3A_235 : i32
        %jit3A_237 = arith.constant 99 : i32
        %select_n3A_238 = arith.select %eq3A_236, %and3A_229, %jit3A_237 : i32
        %eq3A_239 = vector.broadcast %select_n3A_238 : i32 to vector<16xi32>
        %eq3A_240 = arith.cmpi eq, %iota3A, %eq3A_239 : vector<16xi32>
        %select_n3A_241 = arith.select %eq3A_240, %max3A_228, %scan3A_187 : vector<16xi1>, vector<16xf32>
        scf.yield %select_n3A_234, %select_n3A_241 : vector<16xf32>, vector<16xf32>
      }
      %scan3A_121 = arith.constant 32 : i32
      %scan3A_122 = arith.constant 0 : i32
      %scan3A_123 = arith.constant 20 : i32
      %scan3A_124 = arith.addi %scan3A_122, %scan3A_123 : i32
      %scan3A_125 = arith.constant 1 : i32
      %scan3A_126:4 = scf.for %scan3A_185 = %scan3A_122 to %scan3A_124 step %scan3A_125 iter_args(%scan3A_186 = %scan3A_120#0, %scan3A_187 = %scan3A_120#1, %scan3A_188 = %iota3A, %scan3A_189 = %iota3A) -> (vector<16xf32>, vector<16xf32>, vector<16xi32>, vector<16xi32>)  : i32 {
        %max3A = arith.maximumf %scan3A_186, %scan3A_187 : vector<16xf32>
        %iota3A_190 = tpu.iota {dimensions = array<i32: 0>} : vector<16xi32>
        %xor3A = arith.constant 8 : i32
        %xor3A_191 = vector.broadcast %xor3A : i32 to vector<16xi32>
        %xor3A_192 = arith.xori %iota3A_190, %xor3A_191 : vector<16xi32>
        %broadcast_in_dim3A = vector.shape_cast %xor3A_192 : vector<16xi32> to vector<16x1xi32>
        %gather3A = vector.shape_cast %broadcast_in_dim3A : vector<16x1xi32> to vector<16xi32>
        %gather3A_193 = tpu.dynamic_gather %max3A[%gather3A] in [0] : vector<16xf32>, vector<16xi32> -> vector<16xf32>
        %max3A_194 = arith.maximumf %max3A, %gather3A_193 : vector<16xf32>
        %iota3A_195 = tpu.iota {dimensions = array<i32: 0>} : vector<16xi32>
        %xor3A_196 = arith.constant 4 : i32
        %xor3A_197 = vector.broadcast %xor3A_196 : i32 to vector<16xi32>
        %xor3A_198 = arith.xori %iota3A_195, %xor3A_197 : vector<16xi32>
        %broadcast_in_dim3A_199 = vector.shape_cast %xor3A_198 : vector<16xi32> to vector<16x1xi32>
        %gather3A_200 = vector.shape_cast %broadcast_in_dim3A_199 : vector<16x1xi32> to vector<16xi32>
        %gather3A_201 = tpu.dynamic_gather %max3A_194[%gather3A_200] in [0] : vector<16xf32>, vector<16xi32> -> vector<16xf32>
        %max3A_202 = arith.maximumf %max3A_194, %gather3A_201 : vector<16xf32>
        %iota3A_203 = tpu.iota {dimensions = array<i32: 0>} : vector<16xi32>
        %xor3A_204 = arith.constant 2 : i32
        %xor3A_205 = vector.broadcast %xor3A_204 : i32 to vector<16xi32>
        %xor3A_206 = arith.xori %iota3A_203, %xor3A_205 : vector<16xi32>
        %broadcast_in_dim3A_207 = vector.shape_cast %xor3A_206 : vector<16xi32> to vector<16x1xi32>
        %gather3A_208 = vector.shape_cast %broadcast_in_dim3A_207 : vector<16x1xi32> to vector<16xi32>
        %gather3A_209 = tpu.dynamic_gather %max3A_202[%gather3A_208] in [0] : vector<16xf32>, vector<16xi32> -> vector<16xf32>
        %max3A_210 = arith.maximumf %max3A_202, %gather3A_209 : vector<16xf32>
        %iota3A_211 = tpu.iota {dimensions = array<i32: 0>} : vector<16xi32>
        %xor3A_212 = arith.constant 1 : i32
        %xor3A_213 = vector.broadcast %xor3A_212 : i32 to vector<16xi32>
        %xor3A_214 = arith.xori %iota3A_211, %xor3A_213 : vector<16xi32>
        %broadcast_in_dim3A_215 = vector.shape_cast %xor3A_214 : vector<16xi32> to vector<16x1xi32>
        %gather3A_216 = vector.shape_cast %broadcast_in_dim3A_215 : vector<16x1xi32> to vector<16xi32>
        %gather3A_217 = tpu.dynamic_gather %max3A_210[%gather3A_216] in [0] : vector<16xf32>, vector<16xi32> -> vector<16xf32>
        %max3A_218 = arith.maximumf %max3A_210, %gather3A_217 : vector<16xf32>
        %eq3A = arith.cmpf oeq, %scan3A_186, %max3A_218 : vector<16xf32>
        %select_n3A = arith.select %eq3A, %iota3A, %add3A_5 : vector<16xi1>, vector<16xi32>
        %eq3A_219 = arith.cmpf oeq, %scan3A_187, %max3A_218 : vector<16xf32>
        %add3A_220 = arith.constant 16 : i32
        %add3A_221 = vector.broadcast %add3A_220 : i32 to vector<16xi32>
        %add3A_222 = arith.addi %iota3A, %add3A_221 : vector<16xi32>
        %select_n3A_223 = arith.select %eq3A_219, %add3A_222, %add3A_5 : vector<16xi1>, vector<16xi32>
        %min3A_224 = arith.minsi %select_n3A, %select_n3A_223 : vector<16xi32>
        %iota3A_225 = tpu.iota {dimensions = array<i32: 0>} : vector<16xi32>
        %xor3A_226 = arith.constant 8 : i32
        %xor3A_227 = vector.broadcast %xor3A_226 : i32 to vector<16xi32>
        %xor3A_228 = arith.xori %iota3A_225, %xor3A_227 : vector<16xi32>
        %broadcast_in_dim3A_229 = vector.shape_cast %xor3A_228 : vector<16xi32> to vector<16x1xi32>
        %gather3A_230 = vector.shape_cast %broadcast_in_dim3A_229 : vector<16x1xi32> to vector<16xi32>
        %gather3A_231 = tpu.dynamic_gather %min3A_224[%gather3A_230] in [0] : vector<16xi32>, vector<16xi32> -> vector<16xi32>
        %min3A_232 = arith.minsi %min3A_224, %gather3A_231 : vector<16xi32>
        %iota3A_233 = tpu.iota {dimensions = array<i32: 0>} : vector<16xi32>
        %xor3A_234 = arith.constant 4 : i32
        %xor3A_235 = vector.broadcast %xor3A_234 : i32 to vector<16xi32>
        %xor3A_236 = arith.xori %iota3A_233, %xor3A_235 : vector<16xi32>
        %broadcast_in_dim3A_237 = vector.shape_cast %xor3A_236 : vector<16xi32> to vector<16x1xi32>
        %gather3A_238 = vector.shape_cast %broadcast_in_dim3A_237 : vector<16x1xi32> to vector<16xi32>
        %gather3A_239 = tpu.dynamic_gather %min3A_232[%gather3A_238] in [0] : vector<16xi32>, vector<16xi32> -> vector<16xi32>
        %min3A_240 = arith.minsi %min3A_232, %gather3A_239 : vector<16xi32>
        %iota3A_241 = tpu.iota {dimensions = array<i32: 0>} : vector<16xi32>
        %xor3A_242 = arith.constant 2 : i32
        %xor3A_243 = vector.broadcast %xor3A_242 : i32 to vector<16xi32>
        %xor3A_244 = arith.xori %iota3A_241, %xor3A_243 : vector<16xi32>
        %broadcast_in_dim3A_245 = vector.shape_cast %xor3A_244 : vector<16xi32> to vector<16x1xi32>
        %gather3A_246 = vector.shape_cast %broadcast_in_dim3A_245 : vector<16x1xi32> to vector<16xi32>
        %gather3A_247 = tpu.dynamic_gather %min3A_240[%gather3A_246] in [0] : vector<16xi32>, vector<16xi32> -> vector<16xi32>
        %min3A_248 = arith.minsi %min3A_240, %gather3A_247 : vector<16xi32>
        %iota3A_249 = tpu.iota {dimensions = array<i32: 0>} : vector<16xi32>
        %xor3A_250 = arith.constant 1 : i32
        %xor3A_251 = vector.broadcast %xor3A_250 : i32 to vector<16xi32>
        %xor3A_252 = arith.xori %iota3A_249, %xor3A_251 : vector<16xi32>
        %broadcast_in_dim3A_253 = vector.shape_cast %xor3A_252 : vector<16xi32> to vector<16x1xi32>
        %gather3A_254 = vector.shape_cast %broadcast_in_dim3A_253 : vector<16x1xi32> to vector<16xi32>
        %gather3A_255 = tpu.dynamic_gather %min3A_248[%gather3A_254] in [0] : vector<16xi32>, vector<16xi32> -> vector<16xi32>
        %min3A_256 = arith.minsi %min3A_248, %gather3A_255 : vector<16xi32>
        %slice3A = vector.extract_strided_slice %min3A_256 {offsets = [0], sizes = [1], strides = [1]} : vector<16xi32> to vector<1xi32>
        %squeeze3A = vector.extract %slice3A[0] : i32 from vector<1xi32>
        %mul3A_257 = arith.constant 2 : i32
        %mul3A_258 = arith.muli %squeeze3A, %mul3A_257 : i32
        %mul3A_259 = arith.constant 16 : i32
        %mul3A_260 = arith.muli %mul3A_258, %mul3A_259 : i32
        %get3A_261 = arith.index_cast %mul3A_260 : i32 to index
        %get3A_262 = tpu.vector_load %arg6[%get3A_261] {strides = array<i32>} : memref<1024xf32, #tpu.memory_space<vmem>>, vector<16xf32>,
        %get3A_263 = vector.shape_cast %get3A_262 : vector<16xf32> to vector<16xf32>
        %mul3A_264 = arith.constant 2 : i32
        %mul3A_265 = arith.muli %squeeze3A, %mul3A_264 : i32
        %mul3A_266 = arith.constant 16 : i32
        %mul3A_267 = arith.muli %mul3A_265, %mul3A_266 : i32
        %add3A_268 = arith.constant 16 : i32
        %add3A_269 = arith.addi %mul3A_267, %add3A_268 : i32
        %get3A_270 = arith.index_cast %add3A_269 : i32 to index
        %get3A_271 = tpu.vector_load %arg6[%get3A_270] {strides = array<i32>} : memref<1024xf32, #tpu.memory_space<vmem>>, vector<16xf32>,
        %get3A_272 = vector.shape_cast %get3A_271 : vector<16xf32> to vector<16xf32>
        %eq3A_273 = arith.cmpf oeq, %get3A_263, %max3A_218 : vector<16xf32>
        %select_n3A_274 = arith.select %eq3A_273, %iota3A, %add3A_5 : vector<16xi1>, vector<16xi32>
        %eq3A_275 = arith.cmpf oeq, %get3A_272, %max3A_218 : vector<16xf32>
        %add3A_276 = arith.constant 16 : i32
        %add3A_277 = vector.broadcast %add3A_276 : i32 to vector<16xi32>
        %add3A_278 = arith.addi %iota3A, %add3A_277 : vector<16xi32>
        %select_n3A_279 = arith.select %eq3A_275, %add3A_278, %add3A_5 : vector<16xi1>, vector<16xi32>
        %min3A_280 = arith.minsi %select_n3A_274, %select_n3A_279 : vector<16xi32>
        %iota3A_281 = tpu.iota {dimensions = array<i32: 0>} : vector<16xi32>
        %xor3A_282 = arith.constant 8 : i32
        %xor3A_283 = vector.broadcast %xor3A_282 : i32 to vector<16xi32>
        %xor3A_284 = arith.xori %iota3A_281, %xor3A_283 : vector<16xi32>
        %broadcast_in_dim3A_285 = vector.shape_cast %xor3A_284 : vector<16xi32> to vector<16x1xi32>
        %gather3A_286 = vector.shape_cast %broadcast_in_dim3A_285 : vector<16x1xi32> to vector<16xi32>
        %gather3A_287 = tpu.dynamic_gather %min3A_280[%gather3A_286] in [0] : vector<16xi32>, vector<16xi32> -> vector<16xi32>
        %min3A_288 = arith.minsi %min3A_280, %gather3A_287 : vector<16xi32>
        %iota3A_289 = tpu.iota {dimensions = array<i32: 0>} : vector<16xi32>
        %xor3A_290 = arith.constant 4 : i32
        %xor3A_291 = vector.broadcast %xor3A_290 : i32 to vector<16xi32>
        %xor3A_292 = arith.xori %iota3A_289, %xor3A_291 : vector<16xi32>
        %broadcast_in_dim3A_293 = vector.shape_cast %xor3A_292 : vector<16xi32> to vector<16x1xi32>
        %gather3A_294 = vector.shape_cast %broadcast_in_dim3A_293 : vector<16x1xi32> to vector<16xi32>
        %gather3A_295 = tpu.dynamic_gather %min3A_288[%gather3A_294] in [0] : vector<16xi32>, vector<16xi32> -> vector<16xi32>
        %min3A_296 = arith.minsi %min3A_288, %gather3A_295 : vector<16xi32>
        %iota3A_297 = tpu.iota {dimensions = array<i32: 0>} : vector<16xi32>
        %xor3A_298 = arith.constant 2 : i32
        %xor3A_299 = vector.broadcast %xor3A_298 : i32 to vector<16xi32>
        %xor3A_300 = arith.xori %iota3A_297, %xor3A_299 : vector<16xi32>
        %broadcast_in_dim3A_301 = vector.shape_cast %xor3A_300 : vector<16xi32> to vector<16x1xi32>
        %gather3A_302 = vector.shape_cast %broadcast_in_dim3A_301 : vector<16x1xi32> to vector<16xi32>
        %gather3A_303 = tpu.dynamic_gather %min3A_296[%gather3A_302] in [0] : vector<16xi32>, vector<16xi32> -> vector<16xi32>
        %min3A_304 = arith.minsi %min3A_296, %gather3A_303 : vector<16xi32>
        %iota3A_305 = tpu.iota {dimensions = array<i32: 0>} : vector<16xi32>
        %xor3A_306 = arith.constant 1 : i32
        %xor3A_307 = vector.broadcast %xor3A_306 : i32 to vector<16xi32>
        %xor3A_308 = arith.xori %iota3A_305, %xor3A_307 : vector<16xi32>
        %broadcast_in_dim3A_309 = vector.shape_cast %xor3A_308 : vector<16xi32> to vector<16x1xi32>
        %gather3A_310 = vector.shape_cast %broadcast_in_dim3A_309 : vector<16x1xi32> to vector<16xi32>
        %gather3A_311 = tpu.dynamic_gather %min3A_304[%gather3A_310] in [0] : vector<16xi32>, vector<16xi32> -> vector<16xi32>
        %min3A_312 = arith.minsi %min3A_304, %gather3A_311 : vector<16xi32>
        %mul3A_313 = arith.constant 2 : i32
        %mul3A_314 = vector.broadcast %mul3A_313 : i32 to vector<16xi32>
        %mul3A_315 = arith.muli %min3A_256, %mul3A_314 : vector<16xi32>
        %mul3A_316 = arith.constant 16 : i32
        %mul3A_317 = vector.broadcast %mul3A_316 : i32 to vector<16xi32>
        %mul3A_318 = arith.muli %mul3A_315, %mul3A_317 : vector<16xi32>
        %add3A_319 = arith.addi %mul3A_318, %min3A_312 : vector<16xi32>
        %eq3A_320 = arith.cmpi eq, %iota3A, %min3A_312 : vector<16xi32>
        %jit3A = arith.constant 0xFF800000 : f32
        %broadcast_in_dim3A_321 = vector.broadcast %jit3A : f32 to vector<16xf32>
        %select_n3A_322 = arith.select %eq3A_320, %broadcast_in_dim3A_321, %get3A_263 : vector<16xi1>, vector<16xf32>
        %sub3A_323 = arith.constant 16 : i32
        %sub3A_324 = vector.broadcast %sub3A_323 : i32 to vector<16xi32>
        %sub3A_325 = arith.subi %min3A_312, %sub3A_324 : vector<16xi32>
        %eq3A_326 = arith.cmpi eq, %iota3A, %sub3A_325 : vector<16xi32>
        %jit3A_327 = arith.constant 0xFF800000 : f32
        %broadcast_in_dim3A_328 = vector.broadcast %jit3A_327 : f32 to vector<16xf32>
        %select_n3A_329 = arith.select %eq3A_326, %broadcast_in_dim3A_328, %get3A_272 : vector<16xi1>, vector<16xf32>
        %mul3A_330 = arith.constant 2 : i32
        %mul3A_331 = arith.muli %squeeze3A, %mul3A_330 : i32
        %mul3A_332 = arith.constant 16 : i32
        %mul3A_333 = arith.muli %mul3A_331, %mul3A_332 : i32
        %swap3A_334 = arith.index_cast %mul3A_333 : i32 to index
        %swap3A_335 = tpu.vector_load %arg6[%swap3A_334] {strides = array<i32>} : memref<1024xf32, #tpu.memory_space<vmem>>, vector<16xf32>,
        %swap3A_336 = vector.shape_cast %swap3A_335 : vector<16xf32> to vector<16xf32>
        %swap3A_337 = vector.shape_cast %select_n3A_322 : vector<16xf32> to vector<16xf32>
        tpu.vector_store %arg6[%swap3A_334], %swap3A_337 {strides = array<i32>} : memref<1024xf32, #tpu.memory_space<vmem>>, vector<16xf32>,
        %mul3A_338 = arith.constant 2 : i32
        %mul3A_339 = arith.muli %squeeze3A, %mul3A_338 : i32
        %mul3A_340 = arith.constant 16 : i32
        %mul3A_341 = arith.muli %mul3A_339, %mul3A_340 : i32
        %add3A_342 = arith.constant 16 : i32
        %add3A_343 = arith.addi %mul3A_341, %add3A_342 : i32
        %swap3A_344 = arith.index_cast %add3A_343 : i32 to index
        %swap3A_345 = tpu.vector_load %arg6[%swap3A_344] {strides = array<i32>} : memref<1024xf32, #tpu.memory_space<vmem>>, vector<16xf32>,
        %swap3A_346 = vector.shape_cast %swap3A_345 : vector<16xf32> to vector<16xf32>
        %swap3A_347 = vector.shape_cast %select_n3A_329 : vector<16xf32> to vector<16xf32>
        tpu.vector_store %arg6[%swap3A_344], %swap3A_347 {strides = array<i32>} : memref<1024xf32, #tpu.memory_space<vmem>>, vector<16xf32>,
        %max3A_348 = arith.maximumf %select_n3A_322, %select_n3A_329 : vector<16xf32>
        %iota3A_349 = tpu.iota {dimensions = array<i32: 0>} : vector<16xi32>
        %xor3A_350 = arith.constant 8 : i32
        %xor3A_351 = vector.broadcast %xor3A_350 : i32 to vector<16xi32>
        %xor3A_352 = arith.xori %iota3A_349, %xor3A_351 : vector<16xi32>
        %broadcast_in_dim3A_353 = vector.shape_cast %xor3A_352 : vector<16xi32> to vector<16x1xi32>
        %gather3A_354 = vector.shape_cast %broadcast_in_dim3A_353 : vector<16x1xi32> to vector<16xi32>
        %gather3A_355 = tpu.dynamic_gather %max3A_348[%gather3A_354] in [0] : vector<16xf32>, vector<16xi32> -> vector<16xf32>
        %max3A_356 = arith.maximumf %max3A_348, %gather3A_355 : vector<16xf32>
        %iota3A_357 = tpu.iota {dimensions = array<i32: 0>} : vector<16xi32>
        %xor3A_358 = arith.constant 4 : i32
        %xor3A_359 = vector.broadcast %xor3A_358 : i32 to vector<16xi32>
        %xor3A_360 = arith.xori %iota3A_357, %xor3A_359 : vector<16xi32>
        %broadcast_in_dim3A_361 = vector.shape_cast %xor3A_360 : vector<16xi32> to vector<16x1xi32>
        %gather3A_362 = vector.shape_cast %broadcast_in_dim3A_361 : vector<16x1xi32> to vector<16xi32>
        %gather3A_363 = tpu.dynamic_gather %max3A_356[%gather3A_362] in [0] : vector<16xf32>, vector<16xi32> -> vector<16xf32>
        %max3A_364 = arith.maximumf %max3A_356, %gather3A_363 : vector<16xf32>
        %iota3A_365 = tpu.iota {dimensions = array<i32: 0>} : vector<16xi32>
        %xor3A_366 = arith.constant 2 : i32
        %xor3A_367 = vector.broadcast %xor3A_366 : i32 to vector<16xi32>
        %xor3A_368 = arith.xori %iota3A_365, %xor3A_367 : vector<16xi32>
        %broadcast_in_dim3A_369 = vector.shape_cast %xor3A_368 : vector<16xi32> to vector<16x1xi32>
        %gather3A_370 = vector.shape_cast %broadcast_in_dim3A_369 : vector<16x1xi32> to vector<16xi32>
        %gather3A_371 = tpu.dynamic_gather %max3A_364[%gather3A_370] in [0] : vector<16xf32>, vector<16xi32> -> vector<16xf32>
        %max3A_372 = arith.maximumf %max3A_364, %gather3A_371 : vector<16xf32>
        %iota3A_373 = tpu.iota {dimensions = array<i32: 0>} : vector<16xi32>
        %xor3A_374 = arith.constant 1 : i32
        %xor3A_375 = vector.broadcast %xor3A_374 : i32 to vector<16xi32>
        %xor3A_376 = arith.xori %iota3A_373, %xor3A_375 : vector<16xi32>
        %broadcast_in_dim3A_377 = vector.shape_cast %xor3A_376 : vector<16xi32> to vector<16x1xi32>
        %gather3A_378 = vector.shape_cast %broadcast_in_dim3A_377 : vector<16x1xi32> to vector<16xi32>
        %gather3A_379 = tpu.dynamic_gather %max3A_372[%gather3A_378] in [0] : vector<16xf32>, vector<16xi32> -> vector<16xf32>
        %max3A_380 = arith.maximumf %max3A_372, %gather3A_379 : vector<16xf32>
        %and3A = arith.constant 15 : i32
        %and3A_381 = arith.andi %squeeze3A, %and3A : i32
        %shift_right_arithmetic3A = arith.constant 4 : i32
        %shift_right_arithmetic3A_382 = arith.shrsi %squeeze3A, %shift_right_arithmetic3A : i32
        %eq3A_383 = arith.constant 0 : i32
        %eq3A_384 = arith.cmpi eq, %shift_right_arithmetic3A_382, %eq3A_383 : i32
        %jit3A_385 = arith.constant 99 : i32
        %select_n3A_386 = arith.select %eq3A_384, %and3A_381, %jit3A_385 : i32
        %eq3A_387 = vector.broadcast %select_n3A_386 : i32 to vector<16xi32>
        %eq3A_388 = arith.cmpi eq, %iota3A, %eq3A_387 : vector<16xi32>
        %select_n3A_389 = arith.select %eq3A_388, %max3A_380, %scan3A_186 : vector<16xi1>, vector<16xf32>
        %eq3A_390 = arith.constant 1 : i32
        %eq3A_391 = arith.cmpi eq, %shift_right_arithmetic3A_382, %eq3A_390 : i32
        %jit3A_392 = arith.constant 99 : i32
        %select_n3A_393 = arith.select %eq3A_391, %and3A_381, %jit3A_392 : i32
        %eq3A_394 = vector.broadcast %select_n3A_393 : i32 to vector<16xi32>
        %eq3A_395 = arith.cmpi eq, %iota3A, %eq3A_394 : vector<16xi32>
        %select_n3A_396 = arith.select %eq3A_395, %max3A_380, %scan3A_187 : vector<16xi1>, vector<16xf32>
        %eq3A_397 = vector.broadcast %scan3A_185 : i32 to vector<16xi32>
        %eq3A_398 = arith.cmpi eq, %iota3A, %eq3A_397 : vector<16xi32>
        %select_n3A_399 = arith.select %eq3A_398, %add3A_319, %scan3A_188 : vector<16xi1>, vector<16xi32>
        %sub3A_400 = arith.constant 8 : i32
        %sub3A_401 = arith.subi %scan3A_185, %sub3A_400 : i32
        %eq3A_402 = vector.broadcast %sub3A_401 : i32 to vector<16xi32>
        %eq3A_403 = arith.cmpi eq, %iota3A, %eq3A_402 : vector<16xi32>
        %select_n3A_404 = arith.select %eq3A_403, %add3A_319, %scan3A_189 : vector<16xi1>, vector<16xi32>
        scf.yield %select_n3A_389, %select_n3A_396, %select_n3A_399, %select_n3A_404 : vector<16xf32>, vector<16xf32>, vector<16xi32>, vector<16xi32>
      }
      %scan3A_127 = arith.constant 20 : i32
      %swap3A_128 = arith.constant 0 : index
      %swap3A_129 = tpu.vector_load %arg8[%swap3A_128] {strides = array<i32>} : memref<24xi32, #tpu.memory_space<vmem>>, vector<16xi32>,
      %swap3A_130 = vector.shape_cast %swap3A_129 : vector<16xi32> to vector<16xi32>
      %swap3A_131 = vector.shape_cast %scan3A_126#2 : vector<16xi32> to vector<16xi32>
      tpu.vector_store %arg8[%swap3A_128], %swap3A_131 {strides = array<i32>} : memref<24xi32, #tpu.memory_space<vmem>>, vector<16xi32>,
      %swap3A_132 = arith.constant 8 : index
      %swap3A_133 = tpu.vector_load %arg8[%swap3A_132] {strides = array<i32>} : memref<24xi32, #tpu.memory_space<vmem>>, vector<16xi32>,
      %swap3A_134 = vector.shape_cast %swap3A_133 : vector<16xi32> to vector<16xi32>
      %swap3A_135 = vector.shape_cast %scan3A_126#3 : vector<16xi32> to vector<16xi32>
      tpu.vector_store %arg8[%swap3A_132], %swap3A_135 {strides = array<i32>} : memref<24xi32, #tpu.memory_space<vmem>>, vector<16xi32>,
      %dma_start3A_136 = arith.constant 0 : i32
      %dma_start3A_137 = arith.constant 0 : i32
      %dma_start3A_138 = tpu.memref_slice %arg3[%dma_start3A_136, %dma_start3A_137] : memref<1024x256xf32, #tpu.memory_space<hbm>> -> memref<1024x256xf32, #tpu.memory_space<hbm>>
      tpu.enqueue_indirect_dma source(%dma_start3A_138 : memref<1024x256xf32, #tpu.memory_space<hbm>>) target(%arg10 : memref<24x256xf32, #tpu.memory_space<vmem>>) offsets(%arg8 : memref<24xi32, #tpu.memory_space<vmem>>) semaphore(%arg15 : memref<!tpu.dma_semaphore, #tpu.memory_space<semaphore_mem>>)
      %dma_start3A_139 = arith.constant 0 : i32
      %dma_start3A_140 = tpu.memref_slice %arg2[%min3A_70, %dma_start3A_139] : memref<1024x1024xf32, #tpu.memory_space<hbm>> -> memref<1x1024xf32, #tpu.memory_space<hbm>>
      %dma_start3A_141 = tpu.memref_squeeze %dma_start3A_140 : memref<1x1024xf32, #tpu.memory_space<hbm>> -> memref<1024xf32, #tpu.memory_space<hbm>>
      %dma_start3A_142 = arith.constant 0 : i32
      %dma_start3A_143 = tpu.memref_slice %arg2[%min3A_70, %dma_start3A_142] : memref<1024x1024xf32, #tpu.memory_space<hbm>> -> memref<1x1024xf32, #tpu.memory_space<hbm>>
      %dma_start3A_144 = tpu.memref_squeeze %dma_start3A_143 : memref<1x1024xf32, #tpu.memory_space<hbm>> -> memref<1024xf32, #tpu.memory_space<hbm>>
      tpu.enqueue_dma source(%dma_start3A_144 : memref<1024xf32, #tpu.memory_space<hbm>>) target(%arg6 : memref<1024xf32, #tpu.memory_space<vmem>>) target_semaphore(%arg13 : memref<!tpu.dma_semaphore, #tpu.memory_space<semaphore_mem>>)
      %dma_wait3A_145 = arith.constant 0 : i32
      %dma_wait3A_146 = arith.constant 0 : i32
      %dma_wait3A_147 = tpu.memref_slice %arg3[%dma_wait3A_145, %dma_wait3A_146] : memref<1024x256xf32, #tpu.memory_space<hbm>> -> memref<1024x256xf32, #tpu.memory_space<hbm>>
      tpu.wait_indirect_dma semaphore(%arg14 : memref<!tpu.dma_semaphore, #tpu.memory_space<semaphore_mem>>) src(%dma_wait3A_147 : memref<1024x256xf32, #tpu.memory_space<hbm>>) dst(%arg9 : memref<24x256xf32, #tpu.memory_space<vmem>>)
      %gt3A = arith.constant 0 : i32
      %gt3A_148 = arith.cmpi sgt, %scan3A_51, %gt3A : i32
      %convert_element_type3A = arith.extui %gt3A_148 : i1 to i32
      %cond3A = arith.constant 0 : i32
      %cond3A_149 = arith.cmpi ne, %convert_element_type3A, %cond3A : i32
      scf.if %cond3A_149 {
        %dma_wait3A_185 = arith.constant 0 : i32
        %dma_wait3A_186 = tpu.memref_slice %arg4[%add3A_55, %dma_wait3A_185] : memref<1024x256xf32, #tpu.memory_space<hbm>> -> memref<1x256xf32, #tpu.memory_space<hbm>>
        %dma_wait3A_187 = tpu.memref_squeeze %dma_wait3A_186 : memref<1x256xf32, #tpu.memory_space<hbm>> -> memref<256xf32, #tpu.memory_space<hbm>>
        %dma_wait3A_188 = arith.constant 0 : i32
        %dma_wait3A_189 = tpu.memref_slice %arg4[%add3A_55, %dma_wait3A_188] : memref<1024x256xf32, #tpu.memory_space<hbm>> -> memref<1x256xf32, #tpu.memory_space<hbm>>
        %dma_wait3A_190 = tpu.memref_squeeze %dma_wait3A_189 : memref<1x256xf32, #tpu.memory_space<hbm>> -> memref<256xf32, #tpu.memory_space<hbm>>
        tpu.wait_dma2 semaphore(%arg16 : memref<!tpu.dma_semaphore, #tpu.memory_space<semaphore_mem>>) src(%arg11 : memref<256xf32, #tpu.memory_space<vmem>>) dst(%dma_wait3A_190 : memref<256xf32, #tpu.memory_space<hbm>>)
      } else {
      }
      %scan3A_150 = arith.constant 0 : i32
      %scan3A_151 = arith.constant 0 : i32
      %scan3A_152 = arith.constant 16 : i32
      %scan3A_153 = arith.addi %scan3A_151, %scan3A_152 : i32
      %scan3A_154 = arith.constant 1 : i32
      %scan3A_155 = scf.for %scan3A_185 = %scan3A_151 to %scan3A_153 step %scan3A_154 iter_args(%scan3A_186 = %scan3A_150) -> (i32)  : i32 {
        %mul3A_187 = arith.constant 16 : i32
        %mul3A_188 = arith.muli %scan3A_185, %mul3A_187 : i32
        %get3A_189 = arith.constant 0 : i32
        %get3A_190 = arith.index_cast %get3A_189 : i32 to index
        %get3A_191 = arith.index_cast %mul3A_188 : i32 to index
        %get3A_192 = tpu.vector_load %arg9[%get3A_190, %get3A_191] {strides = array<i32>} : memref<24x256xf32, #tpu.memory_space<vmem>>, vector<1x16xf32>,
        %get3A_193 = vector.shape_cast %get3A_192 : vector<1x16xf32> to vector<16xf32>
        %scan3A_194 = arith.constant 1 : i32
        %scan3A_195 = arith.constant 16 : i32
        %scan3A_196 = arith.addi %scan3A_194, %scan3A_195 : i32
        %scan3A_197 = arith.constant 4 : i32
        %scan3A_198 = scf.for %scan3A_234 = %scan3A_194 to %scan3A_196 step %scan3A_197 iter_args(%scan3A_235 = %get3A_193) -> (vector<16xf32>)  : i32 {
          %mul3A_236 = arith.constant 16 : i32
          %mul3A_237 = arith.muli %scan3A_185, %mul3A_236 : i32
          %get3A_238 = arith.index_cast %scan3A_234 : i32 to index
          %get3A_239 = arith.index_cast %mul3A_237 : i32 to index
          %get3A_240 = tpu.vector_load %arg9[%get3A_238, %get3A_239] {strides = array<i32>} : memref<24x256xf32, #tpu.memory_space<vmem>>, vector<1x16xf32>,
          %get3A_241 = vector.shape_cast %get3A_240 : vector<1x16xf32> to vector<16xf32>
          %add3A_242 = arith.addf %scan3A_235, %get3A_241 : vector<16xf32>
          %scan3A_243 = arith.constant 1 : i32
          %scan3A_244 = arith.addi %scan3A_234, %scan3A_243 : i32
          %mul3A_245 = arith.constant 16 : i32
          %mul3A_246 = arith.muli %scan3A_185, %mul3A_245 : i32
          %get3A_247 = arith.index_cast %scan3A_244 : i32 to index
          %get3A_248 = arith.index_cast %mul3A_246 : i32 to index
          %get3A_249 = tpu.vector_load %arg9[%get3A_247, %get3A_248] {strides = array<i32>} : memref<24x256xf32, #tpu.memory_space<vmem>>, vector<1x16xf32>,
          %get3A_250 = vector.shape_cast %get3A_249 : vector<1x16xf32> to vector<16xf32>
          %add3A_251 = arith.addf %add3A_242, %get3A_250 : vector<16xf32>
          %scan3A_252 = arith.constant 2 : i32
          %scan3A_253 = arith.addi %scan3A_234, %scan3A_252 : i32
          %mul3A_254 = arith.constant 16 : i32
          %mul3A_255 = arith.muli %scan3A_185, %mul3A_254 : i32
          %get3A_256 = arith.index_cast %scan3A_253 : i32 to index
          %get3A_257 = arith.index_cast %mul3A_255 : i32 to index
          %get3A_258 = tpu.vector_load %arg9[%get3A_256, %get3A_257] {strides = array<i32>} : memref<24x256xf32, #tpu.memory_space<vmem>>, vector<1x16xf32>,
          %get3A_259 = vector.shape_cast %get3A_258 : vector<1x16xf32> to vector<16xf32>
          %add3A_260 = arith.addf %add3A_251, %get3A_259 : vector<16xf32>
          %scan3A_261 = arith.constant 3 : i32
          %scan3A_262 = arith.addi %scan3A_234, %scan3A_261 : i32
          %mul3A_263 = arith.constant 16 : i32
          %mul3A_264 = arith.muli %scan3A_185, %mul3A_263 : i32
          %get3A_265 = arith.index_cast %scan3A_262 : i32 to index
          %get3A_266 = arith.index_cast %mul3A_264 : i32 to index
          %get3A_267 = tpu.vector_load %arg9[%get3A_265, %get3A_266] {strides = array<i32>} : memref<24x256xf32, #tpu.memory_space<vmem>>, vector<1x16xf32>,
          %get3A_268 = vector.shape_cast %get3A_267 : vector<1x16xf32> to vector<16xf32>
          %add3A_269 = arith.addf %add3A_260, %get3A_268 : vector<16xf32>
          scf.yield %add3A_269 : vector<16xf32>
        }
        %scan3A_199 = arith.constant 16 : i32
        %scan3A_200 = arith.addi %scan3A_194, %scan3A_199 : i32
        %mul3A_201 = arith.constant 16 : i32
        %mul3A_202 = arith.muli %scan3A_185, %mul3A_201 : i32
        %get3A_203 = arith.index_cast %scan3A_200 : i32 to index
        %get3A_204 = arith.index_cast %mul3A_202 : i32 to index
        %get3A_205 = tpu.vector_load %arg9[%get3A_203, %get3A_204] {strides = array<i32>} : memref<24x256xf32, #tpu.memory_space<vmem>>, vector<1x16xf32>,
        %get3A_206 = vector.shape_cast %get3A_205 : vector<1x16xf32> to vector<16xf32>
        %add3A_207 = arith.addf %scan3A_198, %get3A_206 : vector<16xf32>
        %scan3A_208 = arith.constant 17 : i32
        %scan3A_209 = arith.addi %scan3A_194, %scan3A_208 : i32
        %mul3A_210 = arith.constant 16 : i32
        %mul3A_211 = arith.muli %scan3A_185, %mul3A_210 : i32
        %get3A_212 = arith.index_cast %scan3A_209 : i32 to index
        %get3A_213 = arith.index_cast %mul3A_211 : i32 to index
        %get3A_214 = tpu.vector_load %arg9[%get3A_212, %get3A_213] {strides = array<i32>} : memref<24x256xf32, #tpu.memory_space<vmem>>, vector<1x16xf32>,
        %get3A_215 = vector.shape_cast %get3A_214 : vector<1x16xf32> to vector<16xf32>
        %add3A_216 = arith.addf %add3A_207, %get3A_215 : vector<16xf32>
        %scan3A_217 = arith.constant 18 : i32
        %scan3A_218 = arith.addi %scan3A_194, %scan3A_217 : i32
        %mul3A_219 = arith.constant 16 : i32
        %mul3A_220 = arith.muli %scan3A_185, %mul3A_219 : i32
        %get3A_221 = arith.index_cast %scan3A_218 : i32 to index
        %get3A_222 = arith.index_cast %mul3A_220 : i32 to index
        %get3A_223 = tpu.vector_load %arg9[%get3A_221, %get3A_222] {strides = array<i32>} : memref<24x256xf32, #tpu.memory_space<vmem>>, vector<1x16xf32>,
        %get3A_224 = vector.shape_cast %get3A_223 : vector<1x16xf32> to vector<16xf32>
        %add3A_225 = arith.addf %add3A_216, %get3A_224 : vector<16xf32>
        %scan3A_226 = arith.constant 19 : i32
        %mul3A_227 = arith.constant 16 : i32
        %mul3A_228 = arith.muli %scan3A_185, %mul3A_227 : i32
        %swap3A_229 = arith.index_cast %mul3A_228 : i32 to index
        %swap3A_230 = tpu.vector_load %arg11[%swap3A_229] {strides = array<i32>} : memref<256xf32, #tpu.memory_space<vmem>>, vector<16xf32>,
        %swap3A_231 = vector.shape_cast %swap3A_230 : vector<16xf32> to vector<16xf32>
        %swap3A_232 = vector.shape_cast %add3A_225 : vector<16xf32> to vector<16xf32>
        tpu.vector_store %arg11[%swap3A_229], %swap3A_232 {strides = array<i32>} : memref<256xf32, #tpu.memory_space<vmem>>, vector<16xf32>,
        %scan3A_233 = arith.constant 0 : i32
        scf.yield %scan3A_233 : i32
      }
      %scan3A_156 = arith.constant 16 : i32
      %dma_start3A_157 = arith.constant 0 : i32
      %dma_start3A_158 = tpu.memref_slice %arg4[%add3A_55, %dma_start3A_157] : memref<1024x256xf32, #tpu.memory_space<hbm>> -> memref<1x256xf32, #tpu.memory_space<hbm>>
      %dma_start3A_159 = tpu.memref_squeeze %dma_start3A_158 : memref<1x256xf32, #tpu.memory_space<hbm>> -> memref<256xf32, #tpu.memory_space<hbm>>
      %dma_start3A_160 = arith.constant 0 : i32
      %dma_start3A_161 = tpu.memref_slice %arg4[%add3A_55, %dma_start3A_160] : memref<1024x256xf32, #tpu.memory_space<hbm>> -> memref<1x256xf32, #tpu.memory_space<hbm>>
      %dma_start3A_162 = tpu.memref_squeeze %dma_start3A_161 : memref<1x256xf32, #tpu.memory_space<hbm>> -> memref<256xf32, #tpu.memory_space<hbm>>
      tpu.enqueue_dma source(%arg11 : memref<256xf32, #tpu.memory_space<vmem>>) target(%dma_start3A_162 : memref<256xf32, #tpu.memory_space<hbm>>) target_semaphore(%arg16 : memref<!tpu.dma_semaphore, #tpu.memory_space<semaphore_mem>>)
      %dma_wait3A_163 = arith.constant 0 : i32
      %dma_wait3A_164 = arith.constant 0 : i32
      %dma_wait3A_165 = tpu.memref_slice %arg3[%dma_wait3A_163, %dma_wait3A_164] : memref<1024x256xf32, #tpu.memory_space<hbm>> -> memref<1024x256xf32, #tpu.memory_space<hbm>>
      tpu.wait_indirect_dma semaphore(%arg15 : memref<!tpu.dma_semaphore, #tpu.memory_space<semaphore_mem>>) src(%dma_wait3A_165 : memref<1024x256xf32, #tpu.memory_space<hbm>>) dst(%arg10 : memref<24x256xf32, #tpu.memory_space<vmem>>)
      %gt3A_166 = arith.constant 0 : i32
      %gt3A_167 = arith.cmpi sgt, %scan3A_51, %gt3A_166 : i32
      %convert_element_type3A_168 = arith.extui %gt3A_167 : i1 to i32
      %cond3A_169 = arith.constant 0 : i32
      %cond3A_170 = arith.cmpi ne, %convert_element_type3A_168, %cond3A_169 : i32
      scf.if %cond3A_170 {
        %dma_wait3A_185 = arith.constant 0 : i32
        %dma_wait3A_186 = tpu.memref_slice %arg4[%add3A_57, %dma_wait3A_185] : memref<1024x256xf32, #tpu.memory_space<hbm>> -> memref<1x256xf32, #tpu.memory_space<hbm>>
        %dma_wait3A_187 = tpu.memref_squeeze %dma_wait3A_186 : memref<1x256xf32, #tpu.memory_space<hbm>> -> memref<256xf32, #tpu.memory_space<hbm>>
        %dma_wait3A_188 = arith.constant 0 : i32
        %dma_wait3A_189 = tpu.memref_slice %arg4[%add3A_57, %dma_wait3A_188] : memref<1024x256xf32, #tpu.memory_space<hbm>> -> memref<1x256xf32, #tpu.memory_space<hbm>>
        %dma_wait3A_190 = tpu.memref_squeeze %dma_wait3A_189 : memref<1x256xf32, #tpu.memory_space<hbm>> -> memref<256xf32, #tpu.memory_space<hbm>>
        tpu.wait_dma2 semaphore(%arg17 : memref<!tpu.dma_semaphore, #tpu.memory_space<semaphore_mem>>) src(%arg12 : memref<256xf32, #tpu.memory_space<vmem>>) dst(%dma_wait3A_190 : memref<256xf32, #tpu.memory_space<hbm>>)
      } else {
      }
      %scan3A_171 = arith.constant 0 : i32
      %scan3A_172 = arith.constant 0 : i32
      %scan3A_173 = arith.constant 16 : i32
      %scan3A_174 = arith.addi %scan3A_172, %scan3A_173 : i32
      %scan3A_175 = arith.constant 1 : i32
      %scan3A_176 = scf.for %scan3A_185 = %scan3A_172 to %scan3A_174 step %scan3A_175 iter_args(%scan3A_186 = %scan3A_171) -> (i32)  : i32 {
        %mul3A_187 = arith.constant 16 : i32
        %mul3A_188 = arith.muli %scan3A_185, %mul3A_187 : i32
        %get3A_189 = arith.constant 0 : i32
        %get3A_190 = arith.index_cast %get3A_189 : i32 to index
        %get3A_191 = arith.index_cast %mul3A_188 : i32 to index
        %get3A_192 = tpu.vector_load %arg10[%get3A_190, %get3A_191] {strides = array<i32>} : memref<24x256xf32, #tpu.memory_space<vmem>>, vector<1x16xf32>,
        %get3A_193 = vector.shape_cast %get3A_192 : vector<1x16xf32> to vector<16xf32>
        %scan3A_194 = arith.constant 1 : i32
        %scan3A_195 = arith.constant 16 : i32
        %scan3A_196 = arith.addi %scan3A_194, %scan3A_195 : i32
        %scan3A_197 = arith.constant 4 : i32
        %scan3A_198 = scf.for %scan3A_234 = %scan3A_194 to %scan3A_196 step %scan3A_197 iter_args(%scan3A_235 = %get3A_193) -> (vector<16xf32>)  : i32 {
          %mul3A_236 = arith.constant 16 : i32
          %mul3A_237 = arith.muli %scan3A_185, %mul3A_236 : i32
          %get3A_238 = arith.index_cast %scan3A_234 : i32 to index
          %get3A_239 = arith.index_cast %mul3A_237 : i32 to index
          %get3A_240 = tpu.vector_load %arg10[%get3A_238, %get3A_239] {strides = array<i32>} : memref<24x256xf32, #tpu.memory_space<vmem>>, vector<1x16xf32>,
          %get3A_241 = vector.shape_cast %get3A_240 : vector<1x16xf32> to vector<16xf32>
          %add3A_242 = arith.addf %scan3A_235, %get3A_241 : vector<16xf32>
          %scan3A_243 = arith.constant 1 : i32
          %scan3A_244 = arith.addi %scan3A_234, %scan3A_243 : i32
          %mul3A_245 = arith.constant 16 : i32
          %mul3A_246 = arith.muli %scan3A_185, %mul3A_245 : i32
          %get3A_247 = arith.index_cast %scan3A_244 : i32 to index
          %get3A_248 = arith.index_cast %mul3A_246 : i32 to index
          %get3A_249 = tpu.vector_load %arg10[%get3A_247, %get3A_248] {strides = array<i32>} : memref<24x256xf32, #tpu.memory_space<vmem>>, vector<1x16xf32>,
          %get3A_250 = vector.shape_cast %get3A_249 : vector<1x16xf32> to vector<16xf32>
          %add3A_251 = arith.addf %add3A_242, %get3A_250 : vector<16xf32>
          %scan3A_252 = arith.constant 2 : i32
          %scan3A_253 = arith.addi %scan3A_234, %scan3A_252 : i32
          %mul3A_254 = arith.constant 16 : i32
          %mul3A_255 = arith.muli %scan3A_185, %mul3A_254 : i32
          %get3A_256 = arith.index_cast %scan3A_253 : i32 to index
          %get3A_257 = arith.index_cast %mul3A_255 : i32 to index
          %get3A_258 = tpu.vector_load %arg10[%get3A_256, %get3A_257] {strides = array<i32>} : memref<24x256xf32, #tpu.memory_space<vmem>>, vector<1x16xf32>,
          %get3A_259 = vector.shape_cast %get3A_258 : vector<1x16xf32> to vector<16xf32>
          %add3A_260 = arith.addf %add3A_251, %get3A_259 : vector<16xf32>
          %scan3A_261 = arith.constant 3 : i32
          %scan3A_262 = arith.addi %scan3A_234, %scan3A_261 : i32
          %mul3A_263 = arith.constant 16 : i32
          %mul3A_264 = arith.muli %scan3A_185, %mul3A_263 : i32
          %get3A_265 = arith.index_cast %scan3A_262 : i32 to index
          %get3A_266 = arith.index_cast %mul3A_264 : i32 to index
          %get3A_267 = tpu.vector_load %arg10[%get3A_265, %get3A_266] {strides = array<i32>} : memref<24x256xf32, #tpu.memory_space<vmem>>, vector<1x16xf32>,
          %get3A_268 = vector.shape_cast %get3A_267 : vector<1x16xf32> to vector<16xf32>
          %add3A_269 = arith.addf %add3A_260, %get3A_268 : vector<16xf32>
          scf.yield %add3A_269 : vector<16xf32>
        }
        %scan3A_199 = arith.constant 16 : i32
        %scan3A_200 = arith.addi %scan3A_194, %scan3A_199 : i32
        %mul3A_201 = arith.constant 16 : i32
        %mul3A_202 = arith.muli %scan3A_185, %mul3A_201 : i32
        %get3A_203 = arith.index_cast %scan3A_200 : i32 to index
        %get3A_204 = arith.index_cast %mul3A_202 : i32 to index
        %get3A_205 = tpu.vector_load %arg10[%get3A_203, %get3A_204] {strides = array<i32>} : memref<24x256xf32, #tpu.memory_space<vmem>>, vector<1x16xf32>,
        %get3A_206 = vector.shape_cast %get3A_205 : vector<1x16xf32> to vector<16xf32>
        %add3A_207 = arith.addf %scan3A_198, %get3A_206 : vector<16xf32>
        %scan3A_208 = arith.constant 17 : i32
        %scan3A_209 = arith.addi %scan3A_194, %scan3A_208 : i32
        %mul3A_210 = arith.constant 16 : i32
        %mul3A_211 = arith.muli %scan3A_185, %mul3A_210 : i32
        %get3A_212 = arith.index_cast %scan3A_209 : i32 to index
        %get3A_213 = arith.index_cast %mul3A_211 : i32 to index
        %get3A_214 = tpu.vector_load %arg10[%get3A_212, %get3A_213] {strides = array<i32>} : memref<24x256xf32, #tpu.memory_space<vmem>>, vector<1x16xf32>,
        %get3A_215 = vector.shape_cast %get3A_214 : vector<1x16xf32> to vector<16xf32>
        %add3A_216 = arith.addf %add3A_207, %get3A_215 : vector<16xf32>
        %scan3A_217 = arith.constant 18 : i32
        %scan3A_218 = arith.addi %scan3A_194, %scan3A_217 : i32
        %mul3A_219 = arith.constant 16 : i32
        %mul3A_220 = arith.muli %scan3A_185, %mul3A_219 : i32
        %get3A_221 = arith.index_cast %scan3A_218 : i32 to index
        %get3A_222 = arith.index_cast %mul3A_220 : i32 to index
        %get3A_223 = tpu.vector_load %arg10[%get3A_221, %get3A_222] {strides = array<i32>} : memref<24x256xf32, #tpu.memory_space<vmem>>, vector<1x16xf32>,
        %get3A_224 = vector.shape_cast %get3A_223 : vector<1x16xf32> to vector<16xf32>
        %add3A_225 = arith.addf %add3A_216, %get3A_224 : vector<16xf32>
        %scan3A_226 = arith.constant 19 : i32
        %mul3A_227 = arith.constant 16 : i32
        %mul3A_228 = arith.muli %scan3A_185, %mul3A_227 : i32
        %swap3A_229 = arith.index_cast %mul3A_228 : i32 to index
        %swap3A_230 = tpu.vector_load %arg12[%swap3A_229] {strides = array<i32>} : memref<256xf32, #tpu.memory_space<vmem>>, vector<16xf32>,
        %swap3A_231 = vector.shape_cast %swap3A_230 : vector<16xf32> to vector<16xf32>
        %swap3A_232 = vector.shape_cast %add3A_225 : vector<16xf32> to vector<16xf32>
        tpu.vector_store %arg12[%swap3A_229], %swap3A_232 {strides = array<i32>} : memref<256xf32, #tpu.memory_space<vmem>>, vector<16xf32>,
        %scan3A_233 = arith.constant 0 : i32
        scf.yield %scan3A_233 : i32
      }
      %scan3A_177 = arith.constant 16 : i32
      %dma_start3A_178 = arith.constant 0 : i32
      %dma_start3A_179 = tpu.memref_slice %arg4[%add3A_57, %dma_start3A_178] : memref<1024x256xf32, #tpu.memory_space<hbm>> -> memref<1x256xf32, #tpu.memory_space<hbm>>
      %dma_start3A_180 = tpu.memref_squeeze %dma_start3A_179 : memref<1x256xf32, #tpu.memory_space<hbm>> -> memref<256xf32, #tpu.memory_space<hbm>>
      %dma_start3A_181 = arith.constant 0 : i32
      %dma_start3A_182 = tpu.memref_slice %arg4[%add3A_57, %dma_start3A_181] : memref<1024x256xf32, #tpu.memory_space<hbm>> -> memref<1x256xf32, #tpu.memory_space<hbm>>
      %dma_start3A_183 = tpu.memref_squeeze %dma_start3A_182 : memref<1x256xf32, #tpu.memory_space<hbm>> -> memref<256xf32, #tpu.memory_space<hbm>>
      tpu.enqueue_dma source(%arg12 : memref<256xf32, #tpu.memory_space<vmem>>) target(%dma_start3A_183 : memref<256xf32, #tpu.memory_space<hbm>>) target_semaphore(%arg17 : memref<!tpu.dma_semaphore, #tpu.memory_space<semaphore_mem>>)
      %scan3A_184 = arith.constant 0 : i32
      scf.yield %scan3A_184 : i32
    }
    %scan3A_24 = arith.constant 16 : i32
    %add3A_25 = arith.constant 32 : i32
    %add3A_26 = arith.addi %mul3A_2, %add3A_25 : i32
    %sub3A = arith.constant 1 : i32
    %sub3A_27 = arith.subi %add3A_26, %sub3A : i32
    %dma_wait3A = arith.constant 0 : i32
    %dma_wait3A_28 = tpu.memref_slice %arg2[%sub3A_27, %dma_wait3A] : memref<1024x1024xf32, #tpu.memory_space<hbm>> -> memref<1x1024xf32, #tpu.memory_space<hbm>>
    %dma_wait3A_29 = tpu.memref_squeeze %dma_wait3A_28 : memref<1x1024xf32, #tpu.memory_space<hbm>> -> memref<1024xf32, #tpu.memory_space<hbm>>
    %dma_wait3A_30 = arith.constant 0 : i32
    %dma_wait3A_31 = tpu.memref_slice %arg2[%sub3A_27, %dma_wait3A_30] : memref<1024x1024xf32, #tpu.memory_space<hbm>> -> memref<1x1024xf32, #tpu.memory_space<hbm>>
    %dma_wait3A_32 = tpu.memref_squeeze %dma_wait3A_31 : memref<1x1024xf32, #tpu.memory_space<hbm>> -> memref<1024xf32, #tpu.memory_space<hbm>>
    tpu.wait_dma2 semaphore(%arg13 : memref<!tpu.dma_semaphore, #tpu.memory_space<semaphore_mem>>) src(%dma_wait3A_32 : memref<1024xf32, #tpu.memory_space<hbm>>) dst(%arg5 : memref<1024xf32, #tpu.memory_space<vmem>>)
    %dma_wait3A_33 = arith.constant 0 : i32
    %dma_wait3A_34 = tpu.memref_slice %arg2[%sub3A_27, %dma_wait3A_33] : memref<1024x1024xf32, #tpu.memory_space<hbm>> -> memref<1x1024xf32, #tpu.memory_space<hbm>>
    %dma_wait3A_35 = tpu.memref_squeeze %dma_wait3A_34 : memref<1x1024xf32, #tpu.memory_space<hbm>> -> memref<1024xf32, #tpu.memory_space<hbm>>
    %dma_wait3A_36 = arith.constant 0 : i32
    %dma_wait3A_37 = tpu.memref_slice %arg2[%sub3A_27, %dma_wait3A_36] : memref<1024x1024xf32, #tpu.memory_space<hbm>> -> memref<1x1024xf32, #tpu.memory_space<hbm>>
    %dma_wait3A_38 = tpu.memref_squeeze %dma_wait3A_37 : memref<1x1024xf32, #tpu.memory_space<hbm>> -> memref<1024xf32, #tpu.memory_space<hbm>>
    tpu.wait_dma2 semaphore(%arg13 : memref<!tpu.dma_semaphore, #tpu.memory_space<semaphore_mem>>) src(%dma_wait3A_38 : memref<1024xf32, #tpu.memory_space<hbm>>) dst(%arg6 : memref<1024xf32, #tpu.memory_space<vmem>>)
    %dma_wait3A_39 = arith.constant 0 : i32
    %dma_wait3A_40 = tpu.memref_slice %arg4[%sub3A_27, %dma_wait3A_39] : memref<1024x256xf32, #tpu.memory_space<hbm>> -> memref<1x256xf32, #tpu.memory_space<hbm>>
    %dma_wait3A_41 = tpu.memref_squeeze %dma_wait3A_40 : memref<1x256xf32, #tpu.memory_space<hbm>> -> memref<256xf32, #tpu.memory_space<hbm>>
    %dma_wait3A_42 = arith.constant 0 : i32
    %dma_wait3A_43 = tpu.memref_slice %arg4[%sub3A_27, %dma_wait3A_42] : memref<1024x256xf32, #tpu.memory_space<hbm>> -> memref<1x256xf32, #tpu.memory_space<hbm>>
    %dma_wait3A_44 = tpu.memref_squeeze %dma_wait3A_43 : memref<1x256xf32, #tpu.memory_space<hbm>> -> memref<256xf32, #tpu.memory_space<hbm>>
    tpu.wait_dma2 semaphore(%arg16 : memref<!tpu.dma_semaphore, #tpu.memory_space<semaphore_mem>>) src(%arg11 : memref<256xf32, #tpu.memory_space<vmem>>) dst(%dma_wait3A_44 : memref<256xf32, #tpu.memory_space<hbm>>)
    %dma_wait3A_45 = arith.constant 0 : i32
    %dma_wait3A_46 = tpu.memref_slice %arg4[%sub3A_27, %dma_wait3A_45] : memref<1024x256xf32, #tpu.memory_space<hbm>> -> memref<1x256xf32, #tpu.memory_space<hbm>>
    %dma_wait3A_47 = tpu.memref_squeeze %dma_wait3A_46 : memref<1x256xf32, #tpu.memory_space<hbm>> -> memref<256xf32, #tpu.memory_space<hbm>>
    %dma_wait3A_48 = arith.constant 0 : i32
    %dma_wait3A_49 = tpu.memref_slice %arg4[%sub3A_27, %dma_wait3A_48] : memref<1024x256xf32, #tpu.memory_space<hbm>> -> memref<1x256xf32, #tpu.memory_space<hbm>>
    %dma_wait3A_50 = tpu.memref_squeeze %dma_wait3A_49 : memref<1x256xf32, #tpu.memory_space<hbm>> -> memref<256xf32, #tpu.memory_space<hbm>>
    tpu.wait_dma2 semaphore(%arg17 : memref<!tpu.dma_semaphore, #tpu.memory_space<semaphore_mem>>) src(%arg12 : memref<256xf32, #tpu.memory_space<vmem>>) dst(%dma_wait3A_50 : memref<256xf32, #tpu.memory_space<hbm>>)
    return
  }
}

module attributes {stable_mosaic.version = 14 : i64} {
  func.func @_dist_body(%arg0: memref<256x1024xf32, #tpu.memory_space<vmem>>, %arg1: memref<1024x1024xf32, #tpu.memory_space<vmem>>) attributes {dimension_semantics = [], scalar_prefetch = 0 : i64, scratch_operands = 0 : i64, tpu.core_type = #tpu.core_type<tc>} {
    %get3A = arith.constant 0 : index
    %get3A_0 = arith.constant 0 : index
    %get3A_1 = vector.load %arg0[%get3A, %get3A_0] : memref<256x1024xf32, #tpu.memory_space<vmem>>, vector<256x1024xf32>
    %dot_general3A = arith.constant dense<0.000000e+00> : vector<1024x1024xf32>
    %dot_general3A_2 = tpu.matmul %get3A_1, %get3A_1, %dot_general3A {dimension_numbers = #tpu.dot_dimension_numbers<[0], [0], [1], [1], [0, 1, 1, 1], [], []>, transpose_lhs_hint = false} : vector<256x1024xf32>, vector<256x1024xf32>, vector<1024x1024xf32> -> vector<1024x1024xf32>
    %mul3A = arith.mulf %get3A_1, %get3A_1 : vector<256x1024xf32>
    %reduce_sum3A = arith.constant dense<0.000000e+00> : vector<1024xf32>
    %reduce_sum3A_3 = vector.multi_reduction <add>, %mul3A, %reduce_sum3A [0] : vector<256x1024xf32> to vector<1024xf32>
    %mul3A_4 = arith.constant 2.000000e+00 : f32
    %mul3A_5 = vector.broadcast %mul3A_4 : f32 to vector<1024x1024xf32>
    %mul3A_6 = arith.mulf %mul3A_5, %dot_general3A_2 : vector<1024x1024xf32>
    %broadcast_in_dim3A = vector.shape_cast %reduce_sum3A_3 : vector<1024xf32> to vector<1x1024xf32>
    %sub3A = vector.broadcast %broadcast_in_dim3A : vector<1x1024xf32> to vector<1024x1024xf32>
    %sub3A_7 = arith.subf %mul3A_6, %sub3A : vector<1024x1024xf32>
    %broadcast_in_dim3A_8 = vector.shape_cast %reduce_sum3A_3 : vector<1024xf32> to vector<1024x1xf32>
    %sub3A_9 = vector.broadcast %broadcast_in_dim3A_8 : vector<1024x1xf32> to vector<1024x1024xf32>
    %sub3A_10 = arith.subf %sub3A_7, %sub3A_9 : vector<1024x1024xf32>
    %swap3A = arith.constant 0 : index
    %swap3A_11 = arith.constant 0 : index
    %swap3A_12 = vector.load %arg1[%swap3A, %swap3A_11] : memref<1024x1024xf32, #tpu.memory_space<vmem>>, vector<1024x1024xf32>
    tpu.vector_store %arg1[%swap3A, %swap3A_11], %sub3A_10 {strides = array<i32>} : memref<1024x1024xf32, #tpu.memory_space<vmem>>, vector<1024x1024xf32>,
    return
  }
}

module attributes {stable_mosaic.version = 14 : i64} {
  func.func @_final_body(%arg0: memref<1024x256xf32, #tpu.memory_space<vmem>>, %arg1: memref<1024x256xf32, #tpu.memory_space<vmem>>, %arg2: memref<1024x256xf32, #tpu.memory_space<vmem>>, %arg3: memref<256x256xf32, #tpu.memory_space<vmem>>, %arg4: memref<256x1024xf32, #tpu.memory_space<vmem>>) attributes {dimension_semantics = [], scalar_prefetch = 0 : i64, scratch_operands = 0 : i64, tpu.core_type = #tpu.core_type<tc>} {
    %get3A = arith.constant 0 : index
    %get3A_0 = arith.constant 0 : index
    %get3A_1 = vector.load %arg1[%get3A, %get3A_0] : memref<1024x256xf32, #tpu.memory_space<vmem>>, vector<1024x256xf32>
    %add3A = arith.constant 1.000000e+00 : f32
    %add3A_2 = vector.broadcast %add3A : f32 to vector<1024x256xf32>
    %add3A_3 = arith.addf %add3A_2, %get3A_1 : vector<1024x256xf32>
    %get3A_4 = arith.constant 0 : index
    %get3A_5 = arith.constant 0 : index
    %get3A_6 = vector.load %arg0[%get3A_4, %get3A_5] : memref<1024x256xf32, #tpu.memory_space<vmem>>, vector<1024x256xf32>
    %mul3A = arith.mulf %add3A_3, %get3A_6 : vector<1024x256xf32>
    %get3A_7 = arith.constant 0 : index
    %get3A_8 = arith.constant 0 : index
    %get3A_9 = vector.load %arg2[%get3A_7, %get3A_8] : memref<1024x256xf32, #tpu.memory_space<vmem>>, vector<1024x256xf32>
    %add3A_10 = arith.addf %mul3A, %get3A_9 : vector<1024x256xf32>
    %get3A_11 = arith.constant 0 : index
    %get3A_12 = arith.constant 0 : index
    %get3A_13 = vector.load %arg3[%get3A_11, %get3A_12] : memref<256x256xf32, #tpu.memory_space<vmem>>, vector<256x256xf32>
    %dot_general3A = arith.constant dense<0.000000e+00> : vector<256x1024xf32>
    %dot_general3A_14 = tpu.matmul %get3A_13, %add3A_10, %dot_general3A {dimension_numbers = #tpu.dot_dimension_numbers<[1], [1], [0], [0], [0, 0, 1, 0], [], []>, transpose_lhs_hint = false} : vector<256x256xf32>, vector<1024x256xf32>, vector<256x1024xf32> -> vector<256x1024xf32>
    %swap3A = arith.constant 0 : index
    %swap3A_15 = arith.constant 0 : index
    %swap3A_16 = vector.load %arg4[%swap3A, %swap3A_15] : memref<256x1024xf32, #tpu.memory_space<vmem>>, vector<256x1024xf32>
    tpu.vector_store %arg4[%swap3A, %swap3A_15], %dot_general3A_14 {strides = array<i32>} : memref<256x1024xf32, #tpu.memory_space<vmem>>, vector<256x1024xf32>,
    return
  }
}

</mosaic_0001>

<sc_bundles>
// kernel: kernel.5.cloned.1.call-start
scs
__scs_entry_jumppad:
0x0: {  	(pc) =	sbr.rel $0x88, $3  }
0x1: {  	(tag) =	ssettag $0x0;
	lr =	simm.s32 $0x1  }
0x2: {  	[smem:$0x3F9E] =	sst lr;
	_ =	strace $0xD0000000  }
0x3: {  	_ = 	snop  }
0x4: {  	_ = 	snop  }
0x5: {  	_ = 	snop  }
0x6: {  	_ = 	snop  }
0x7: {  	_ = 	snop  }
__scs_overlays_trampoline_lowered:
0x8: {  	[smem:$0x3FAD] =	sst s0  }
0x9: {  	[smem:$0x3FAE] =	sst s1  }
0xa: {  	[smem:$0x3FAF] =	sst s2  }
0xb: {  	[smem:$0x3FB0] =	sst s3  }
0xc: {  	[smem:$0x3FB1] =	sst s4  }
0xd: {  	[smem:$0x3FB2] =	sst s5  }
0xe: {  	[smem:$0x3FB3] =	sst s6  }
0xf: {  	[smem:$0x3FB4] =	sst s7  }
0x10: {  	[smem:$0x3FB5] =	sst s8  }
0x11: {  	[smem:$0x3FB6] =	sst s9;
	s0 =	simm.s32 @!p0 $0x0  }
0x12: {  	s1 =	sld [smem:$0x3F9C];
	s0 =	simm.s32 @p0 $0x1  }
0x13: {  	[smem:$0x3FB7] =	sst s0;
	s0 =	simm.s32 @!p1 $0x0  }
0x14: {  	s2 =	sld [smem:$0x3F9B];
	s0 =	simm.s32 @p1 $0x1  }
0x15: {  	[smem:$0x3FB8] =	sst s0;
	s0 =	simm.s32 @!p2 $0x0  }
0x16: {  	s3 =	sld [smem:$0x3FDB];
	s0 =	simm.s32 @p2 $0x1  }
0x17: {  	s4 =	simm.s32 $0x1BF5;
	[smem:$0x3FBA] =	sst s0  }
0x18: {  	s0 =	sld [smem:$0x3F9D];
	_ =	swait.ge [sflag:s4], $0x0  }
0x19: {  	s7 =	sld [smem:$0x3F9E]  }
0x1a: {  	s8 =	sadd.s32 $0xFFFFE003, lr  }
0x1b: {  	s9 =	sadd.s32 $0xFFFFFEF7, lr;
	s5 =	simm.s32 $0xFFFFFFFF;
	p2 =	slt.u32 s8, $0xFFFFF086  }
0x1c: {  	p1 =	slt.u32 s9, $0xF7A;
	s5 =	simm.s32 @!p2 $0x0  }
0x1d: {  	s5 =	simm.s32 @p1 $0x1;
	p0 =	seq.s32 s7, s2  }
0x1e: {  	s7 =	smul.u32 @!p0 $0xF7A, s2;
	p2 =	seq.s32 @!p0 s5, $0x0  }
0x1f: {  	s9 =	smul.u32 $0xF7A, s1;
	s8 =	simm.s32 @!p0 $0x1BF5;
	p2 =	por !p2, p0  }
0x20: {  	[sflag:s8] =	ssyncset.s32 @!p0 $0xFFFFF086;
	s6 =	sadd.s32 @!p0 s3, s7;
	s7 =	simm.s32 @!p0 $0x108  }
0x21: {  	s3 =	sadd.s32 s3, s9;
	s6 =	sadd.s32 @!p0 $0x88, s6;
	s7 =	simm.s32 @p2 $0x1082  }
0x22: {  	[simem:s7], [sflag:s8] =	dma.local @!p0 [hbm:s6], $0xF7A  }
0x23: {  	s9 =	sor.u32 $0xD0000000, s2;
	s6 =	simm.s32 $0x108;
	_ =	swait.ge @!p0 [sflag:s8], $0x0  }
0x24: {  	s3 =	sadd.s32 $0x88, s3;
	s6 =	simm.s32 @!p1 $0x1082;
	[sflag:s4] =	ssyncset.s32 $0xFFFFF086  }
0x25: {  	[simem:s6], [sflag:s4] =	dma.local [hbm:s3], $0xF7A  }
0x26: {  	[smem:$0x3F9E] =	sst s1;
	(tag) =	ssettag s2;
	_ =	strace s9  }
0x27: {  	s1 =	sld [smem:$0x3FAE]  }
0x28: {  	s2 =	sld [smem:$0x3FAF]  }
0x29: {  	s4 =	sld [smem:$0x3FB1]  }
0x2a: {  	p0 =	seq.s32 s5, $0x0;
	s5 =	sld [smem:$0x3FB2]  }
0x2b: {  	s6 =	sld [smem:$0x3FB3]  }
0x2c: {  	s7 =	sld [smem:$0x3FB4]  }
0x2d: {  	s3 =	simm.s32 $0x108;
	s8 =	sld [smem:$0x3FB5]  }
0x2e: {  	s3 =	simm.s32 @!p0 $0x1082;
	s9 =	sld [smem:$0x3FB6]  }
0x2f: {  	lr =	sadd.s32 s0, s3;
	s0 =	sld [smem:$0x3FAD]  }
0x30: {  	s3 =	sld [smem:$0x3FB0]  }
0x31: {  	[smem:$0x3FB9] =	sst s10  }
0x32: {  	s10 =	sld [smem:$0x3FB7];
	_ =	sdelay $0x3  }
0x33: {  	p0 =	seq.s32 s10, $0x1;
	s10 =	sld [smem:$0x3FB9];
	_ =	sdelay $0x3  }
0x34: {  	[smem:$0x3FB9] =	sst s10  }
0x35: {  	s10 =	sld [smem:$0x3FB8];
	_ =	sdelay $0x3  }
0x36: {  	p1 =	seq.s32 s10, $0x1;
	s10 =	sld [smem:$0x3FB9];
	_ =	sdelay $0x3  }
0x37: {  	[smem:$0x3FB9] =	sst s10  }
0x38: {  	s10 =	sld [smem:$0x3FBA]  }
0x39: {  	_ = 	snop;
	(pc) =	sbr.ind lr, $3  }
0x3a: {  	_ = 	snop  }
0x3b: {  	_ = 	snop  }
0x3c: {  	p2 =	seq.s32 s10, $0x1;
	s10 =	sld [smem:$0x3FB9]  }
0x3d: {  	_ =	shalt  }
0x3e: {  	_ =	shalt  }
0x3f: {  	_ =	shalt  }
0x40: {  	_ =	shalt  }
0x41: {  	_ =	shalt  }
0x42: {  	_ =	shalt  }
0x43: {  	_ =	shalt  }
0x44: {  	_ =	shalt  }
0x45: {  	_ =	shalt  }
0x46: {  	_ =	shalt  }
0x47: {  	_ =	shalt  }
0x48: {  	_ =	shalt  }
0x49: {  	_ =	shalt  }
0x4a: {  	_ =	shalt  }
0x4b: {  	_ =	shalt  }
0x4c: {  	_ =	shalt  }
0x4d: {  	_ =	shalt  }
0x4e: {  	_ =	shalt  }
0x4f: {  	_ =	shalt  }
0x50: {  	_ =	shalt  }
0x51: {  	_ =	shalt  }
0x52: {  	_ =	shalt  }
0x53: {  	_ =	shalt  }
0x54: {  	_ =	shalt  }
0x55: {  	_ =	shalt  }
0x56: {  	_ =	shalt  }
0x57: {  	_ =	shalt  }
0x58: {  	_ =	shalt  }
0x59: {  	_ =	shalt  }
0x5a: {  	_ =	shalt  }
0x5b: {  	_ =	shalt  }
0x5c: {  	_ =	shalt  }
0x5d: {  	_ =	shalt  }
0x5e: {  	_ =	shalt  }
0x5f: {  	_ =	shalt  }
0x60: {  	_ =	shalt  }
0x61: {  	_ =	shalt  }
0x62: {  	_ =	shalt  }
0x63: {  	_ =	shalt  }
0x64: {  	_ =	shalt  }
0x65: {  	_ =	shalt  }
0x66: {  	_ =	shalt  }
0x67: {  	_ =	shalt  }
0x68: {  	_ =	shalt  }
0x69: {  	_ =	shalt  }
0x6a: {  	_ =	shalt  }
0x6b: {  	_ =	shalt  }
0x6c: {  	_ =	shalt  }
0x6d: {  	_ =	shalt  }
0x6e: {  	_ =	shalt  }
0x6f: {  	_ =	shalt  }
0x70: {  	_ =	shalt  }
0x71: {  	_ =	shalt  }
0x72: {  	_ =	shalt  }
0x73: {  	_ =	shalt  }
0x74: {  	_ =	shalt  }
0x75: {  	_ =	shalt  }
0x76: {  	_ =	shalt  }
0x77: {  	_ =	shalt  }
0x78: {  	_ =	shalt  }
0x79: {  	_ =	shalt  }
0x7a: {  	_ =	shalt  }
0x7b: {  	_ =	shalt  }
0x7c: {  	_ =	shalt  }
0x7d: {  	_ =	shalt  }
0x7e: {  	_ =	shalt  }
0x7f: {  	_ =	shalt  }
0x80: {  	_ =	shalt  }
0x81: {  	_ =	shalt  }
0x82: {  	_ =	shalt  }
0x83: {  	_ =	shalt  }
0x84: {  	_ =	shalt  }
0x85: {  	_ =	shalt  }
0x86: {  	_ =	shalt  }
0x87: {  	_ =	shalt  }
.Lfunc_end0:
.L_simem_size_0:
called_computation_lowered:
.L_overlay_start_0:
0x88: {  	s2 =	sld [smem:$0x3FD9]  }
0x89: {  	s3 =	sld [smem:$0x3FFE];
	_ =	sdelay $0x1  }
0x8a: {  	s1 =	srdreg.scid  }
0x8b: {  	s0 =	sand.u32 $0x1, s1  }
0x8c: {  	s17 =	sshll.u32 s0, $0xA;
	s2 =	sadd.s32 s3, s2  }
0x8d: {  	s2 =	sadd.s32 s2, s17  }
0x8e: {  	[smem:$0x3FC5] =	sst s2  }
0x8f: {  	_ = 	snop  }
0x90: {  	s2 =	sld [smem:$0x3FD0];
	(tm) =	ssettm $0x1  }
0x91: {  	s18 =	sld [smem:$0x3FFB];
	_ =	sdelay $0x3  }
0x92: {  	_ =	strace s18  }
0x93: {  	s3 =	sld [smem:$0x3FFC];
	_ =	sdelay $0x3  }
0x94: {  	_ =	strace s3  }
0x95: {  	s3 =	sld [smem:$0x3FFD];
	_ =	sdelay $0x3  }
0x96: {  	_ =	strace s3  }
0x97: {  	_ =	strace $0x8FFFFFFF  }
0x98: {  	s19 =	sld [smem:$0x3FDB];
	_ =	sdelay $0x1  }
0x99: {  	s4 =	simm.s32 $_scs_section_size  }
0x9a: {  	s5 =	simm.s32 $_size__tile_overlayer_lowered;
	s6 =	simm.s32 $_tile_overlayer_lowered  }
0x9b: {  	s22 =	simm.s32 $0x1BFF;
	s21 =	sshll.u32 s6, $0x1;
	s3 =	sadd.s32 s4, s19  }
0x9c: {  	s7 =	simm.s32 $0x0;
	s20 =	sshll.u32 s5, $0x1;
	s5 =	sadd.s32 s21, s3  }
0x9d: {  	[timem:s7], [sflag:s22] =	dma.local [hbm:s5], s20  }
0x9e: {  	_ =	swait.ge [sflag:s22], s20  }
0x9f: {  	s4 =	ssub.s32 $0x0, s20;
	[sflag:s22] =	ssyncset.done $0x0  }
0xa0: {  	[sflag:s22] =	ssyncadd.s32 s4;
	_ =	sdelay $0x1  }
0xa1: {  	s23 =	simm.s32 $0x1B8B  }
0xa2: {  	_ =	swait.ge [sflag:s23], $0x1  }
0xa3: {  	[sflag:s23] =	ssyncset.done $0x0  }
0xa4: {  	s25 =	simm.s32 $0x1B8E;
	s24 =	sld [smem:$0x3FFE];
	[sflag:s23] =	ssyncadd.s32 $0xFFFFFFFF  }
0xa5: {  	s26 =	simm.s32 $execute0_lowered;
	[smem:$0x3FD2] =	sst s25  }
0xa6: {  	s5 =	sshll.u32 s26, $0x1;
	_ =	strace $0x80000046;
	[dreg:$0x1] =	wrdreg $0xFFFFFFFF  }
0xa7: {  	s28 =	simm.s32 $_size_execute0_lowered;
	s3 =	sadd.s32 s3, s5;
	[dreg:$0x0] =	wrdreg $0x0  }
0xa8: {  	s5 =	sshll.u32 s28, $0x1;
	[dreg:$0x2] =	wrdreg s3  }
0xa9: {  	[dreg:$0x3] =	wrdreg s5  }
0xaa: {  	[dreg:$0x4] =	wrdreg $0xC0  }
0xab: {  	_ =	task [dreg:s7], $0x5FFFF  }
0xac: {  	[dreg:$0x1] =	wrdreg $0xFFFFFFFF  }
0xad: {  	[dreg:$0x0] =	wrdreg $0x60  }
0xae: {  	[dreg:$0x2] =	wrdreg s24  }
0xaf: {  	[dreg:$0x3] =	wrdreg s2  }
0xb0: {  	[dreg:$0x4] =	wrdreg $0x9  }
0xb1: {  	_ =	task.clear_ibuf [dreg:s7], $0x5FFFF;
	_ =	strace $0x90000046  }
0xb2: {  	s29 =	simm.s32 $0x9;
	_ =	strace $0x80000048  }
0xb3: {  	_ =	swait.ge [sflag:s29], $0x1  }
0xb4: {  	[sflag:s29] =	ssyncadd.s32 $0xFFFFFFFF  }
0xb5: {  	_ =	strace $0x90000048  }
0xb6: {  	_ =	sfence  }
0xb7: {  	s30 =	sld [smem:$0x0];
	_ =	sdelay $0x2  }
0xb8: {  	s31 =	sshll.u32 s1, $0xD;
	s1 =	sshrl.u32 s1, $0x2  }
0xb9: {  	s3 =	sand.u32 $0x4000, s31;
	s1 =	sadd.s32 s1, s30  }
0xba: {  	s0 =	sor.u32 s3, s0;
	s1 =	sshll.u32 s1, $0x11  }
0xbb: {  	s0 =	sor.u32 s1, s0  }
0xbc: {  	s0 =	sadd.s32 $0x8F2B, s0  }
0xbd: {  	[sflag:s0] =	ssyncadd.remote.s32 $0x1  }
0xbe: {  	_ =	sfence.sel $0xFFFF  }
0xbf: {  	[dreg:$0x0] =	wrdreg $0xFFFFFFFF;
	(pc) =	sbr.abs _section_cstart, $3  }
0xc0: {  	[dreg:$0x1] =	wrdreg $0xFFFFFFFF  }
0xc1: {  	_ =	task.clear_ibuf [dreg:s7], $0x2FFFF;
	_ =	strace $0x9FFFFFFF  }
0xc2: {  	(tm) =	ssettm $0x7FFFFFFF  }
0xc3: {  	_ =	shalt  }
tec
execute0_lowered:
.L_overlay_start_1:
0x0: {  	(tag) =	ssettag $0x1  }
0x1: {  	v0 =	vimm.s32 $0xFEDCBA98;
	s1 =	rddreg [dreg:$0x0]  }
0x2: {  	v1 =	vimm.s32 $0x76543210;
	s0 =	rddreg [dreg:$0x1];
	v3 =	vimm.s32 $0x32107654;
	v4 =	vimm.s32 $0xDCFE98BA  }
0x3: {  	s3 =	srdreg.scid;
	s2 =	simm.s32 $0x0;
	s5 =	stileid.u32;
	v5 =	vimm.s32 $0x54761032;
	v6 =	vimm.s32 $0xEFCDAB89;
	v7 =	vimm.s32 $0x67452301  }
0x4: {  	s11 =	simm.s32 $0x80;
	s12 =	simm.s32 $0x400;
	s13 =	simm.s32 $0x1;
	vm0 =	vmmov $0xffff;
	v0 =	vunpack.c.l.s4.s8 v0;
	v1 =	vunpack.c.l.s4.s8 v1  }
0x5: {  	s14 =	simm.s32 $0x900;
	s15 =	simm.s32 $0x1100;
	s16 =	simm.s32 $0x1900;
	v3 =	vunpack.c.l.s4.s8 v3;
	v4 =	vunpack.c.l.s4.s8 v4;
	v5 =	vunpack.c.l.s4.s8 v5  }
0x6: {  	s17 =	simm.s32 $0x2100;
	s18 =	simm.s32 $0x2900;
	s19 =	simm.s32 $0x3100;
	v6 =	vunpack.c.l.s4.s8 v6;
	v7 =	vunpack.c.l.s4.s8 v7;
	v2 =	vunpack.c.0.s8.s32 v0  }
0x7: {  	s20 =	simm.s32 $0x2;
	s21 =	simm.s32 $0x3900;
	s3 =	sand.u32 $0x1, s3;
	v0 =	vimm.s32 $0xBA98FEDC;
	v4 =	vunpack.c.0.s8.s32 v4;
	v5 =	vunpack.c.0.s8.s32 v5  }
0x8: {  	s22 =	simm.s32 $0x3;
	s5 =	sshll.u32 s5, $0x5;
	s4 =	sshll.u32 s3, $0x9;
	v3 =	vunpack.c.0.s8.s32 v3;
	v6 =	vunpack.c.0.s8.s32 v6;
	v0 =	vunpack.c.l.s4.s8 v0  }
0x9: {  	[smem:$0x7FF] =	sst s2;
	s3 =	ssub.s32 $0x2, s3;
	s4 =	sor.u32 s5, s4;
	v8 =	vunpack.c.0.s8.s32 v1;
	v1 =	vcombine.low v5, v4;
	v5 =	vlaneseq.u32  }
0xa: {  	s5 =	sadd.s32 $0x1000, s1;
	s8 =	sshrl.u32 s3, $0x1;
	v7 =	vunpack.c.0.s8.s32 v7;
	s6 =	sshll.u32 s4, $0x7;
	v0 =	vunpack.c.0.s8.s32 v0;
	v9 =	vor.u32 $0x10, v5  }
0xb: {  	s7 =	sadd.s32 $0x21000, s1;
	s30 =	ssub.s32 s3, s8;
	s6 =	sadd.s32 s5, s6;
	v10 =	vand.u32 $0x7, v5;
	v11 =	vshrl.u32 v5, $0x3;
	v12 =	vor.u32 $0x8, v5  }
0xc: {  	_ =	strace $0x80000047;
	s1 =	smax.u32 s30, $0x1;
	[dreg:$0x3] =	wrdreg s6;
	v0 =	vcombine.low v3, v0;
	v3 =	vand.u32 $0xF, v2;
	v2 =	vcombine.low v7, v6  }
0xd: {  	s23 =	simm.s32 $0x3A00;
	s31 =	sadd.s32 $0x10, s6;
	[dreg:$0x5] =	wrdreg s1;
	v11 =	vmul.u32 $0x8, v11;
	v6 =	vand.u32 $0xF, v1;
	v3 =	vcombine.low v3, v8  }
0xe: {  	s26 =	simm.s32 $0x0;
	s9 =	sor.u32 $0x1F, s4;
	[dreg:$0x4] =	wrdreg s31;
	v8 =	vor.u32 $0x1000, v5;
	v4 =	vand.u32 $0xF, v0;
	v7 =	vand.u32 $0xF, v2  }
.LBB2_1:
0xf: {  	s1 =	rddreg [dreg:$0x3]  }
0x10: {  	[tilespmem:s2], [sflag:$0x1] =	stream.strided.gather [hbm4b:s1+s11], $0x400, s12, s11, $0x38;
	[tilespmem:$0x3B00] =	vst v63  }
0x11: {  	s31 =	rddreg [dreg:$0x4];
	s28 =	simm.s32 $0x0  }
0x12: {  	[tilespmem:s12], [sflag:$0x1] =	stream.strided.gather [hbm4b:s31+s11], $0x400, s12, s11, $0x38;
	[tilespmem:$0x3B00] =	vst v63  }
.LBB2_2:
0x13: {  	_ =	swait.ge [sflag:s13], $0x400  }
0x14: {  	[sflag:s13] =	ssyncset.done $0x0  }
0x15: {  	s1 =	simm.s32 $0x10;
	[sflag:s13] =	ssyncadd.s32 $0xFFFFFC00  }
0x16: {  	v13 =	vld [tilespmem:s1+$0xFFFFFFF0]  }
0x17: {  	v14 =	vld [tilespmem:s1+$0x0];
	_ =	sdelay $0x1  }
0x18: {  	s31 =	simm.s32 $0x30  }
0x19: {  	v15 =	vld [tilespmem:s31+$0xFFFFFFF0]  }
0x1a: {  	v16 =	vld [tilespmem:s31+$0x0]  }
0x1b: {  	v13 =	vmax.f32 v13, v14  }
0x1c: {  	v14 =	vperm.xlane v13, v3;
	_ =	sdelay $0x1  }
0x1d: {  	v13 =	vmax.f32 v13, v14  }
0x1e: {  	s8 =	simm.s32 $0x50;
	v15 =	vmax.f32 v15, v16;
	v17 =	vperm.xlane v13, v0  }
0x1f: {  	s29 =	simm.s32 $0x0;
	v19 =	vld [tilespmem:s8+$0x0];
	v16 =	vperm.xlane v15, v3  }
0x20: {  	p0 =	por $0x0, $0x0;
	s3 =	sand.u32 $0xF, s29;
	v14 =	vld [tilespmem:$0x0];
	v13 =	vmax.f32 v13, v17  }
0x21: {  	s10 =	smov.u32 s3;
	s3 =	simm.s32 @!p0 $0x63;
	v18 =	vmax.f32 v15, v16;
	v16 =	vld [tilespmem:s8+$0xFFFFFFF0];
	v17 =	vperm.xlane v13, v1  }
0x22: {  	v15 =	vmov s3  }
0x23: {  	p1 =	por $0x1, $0x1;
	v17 =	vmax.f32 v13, v17  }
0x24: {  	s30 =	simm.s32 $0x1;
	s1 =	simm.s32 $0x2;
	s10 =	simm.s32 @!p1 $0x63;
	v22 =	vperm.xlane v18, v0;
	v13 =	vlaneseq.u32;
	v21 =	vperm.xlane v17, v2  }
0x25: {  	v20 =	vmov s10;
	s10 =	simm.s32 $0x1;
	s3 =	simm.s32 $0x3;
	s8 =	simm.s32 $0x70;
	vm1 =	veq.s32 v15, v13;
	v15 =	vmov v14  }
.LBB2_3:
0x26: {  	v23 =	vmax.f32 v16, v19;
	v16 =	vld [tilespmem:s8+$0xFFFFFFF0];
	v22 =	vmax.f32 v18, v22;
	v24 =	vmax.f32 v17, v21;
	s31 =	smov.u32 s3;
	p0 =	sne.s32 s3, $0x1F;
	s3 =	sadd.s32 $0x1, s3  }
.Ltmp0:
0x27: {  	s6 =	sshrl.u32 s10, $0x4;
	s24 =	sand.u32 $0xF, s10;
	v19 =	vld [tilespmem:s8+$0x0];
	v17 =	vperm.xlane v23, v3;
	v21 =	vperm.xlane v22, v1;
	v14 =	vsel vm1, v24, v14;
	(pc) =	sbr.rel @p0 .LBB2_3-.Ltmp0, $4  }
0x28: {  	vm2 =	veq.s32 v20, v13;
	p1 =	seq.s32 s6, $0x0;
	p2 =	seq.s32 s6, $0x1;
	s6 =	smov.u32 s24  }
0x29: {  	s10 =	smov.u32 s1;
	s6 =	simm.s32 @!p1 $0x63;
	s24 =	simm.s32 @!p2 $0x63;
	v18 =	vmax.f32 v23, v17;
	v17 =	vmax.f32 v22, v21  }
0x2a: {  	s1 =	smov.u32 s31;
	v23 =	vmov s24;
	v22 =	vperm.xlane v18, v0;
	v21 =	vperm.xlane v17, v2  }
0x2b: {  	s8 =	sadd.s32 $0x20, s8;
	v15 =	vsel vm2, v24, v15;
	v20 =	vmov s6;
	vm1 =	veq.s32 v23, v13  }
0x2c: {  	v16 =	vmax.f32 v16, v19  }
0x2d: {  	v19 =	vperm.xlane v16, v3;
	_ =	sdelay $0x1  }
0x2e: {  	v16 =	vmax.f32 v16, v19  }
0x2f: {  	v18 =	vmax.f32 v18, v22;
	s3 =	sshrl.u32 s10, $0x4;
	s6 =	sand.u32 $0xF, s10;
	v59 =	vperm.xlane v16, v0  }
0x30: {  	v17 =	vmax.f32 v17, v21;
	vm2 =	veq.s32 v20, v13;
	s31 =	sshrl.u32 s1, $0x4;
	s1 =	sand.u32 $0xF, s1;
	p0 =	seq.s32 s3, $0x1;
	v19 =	vperm.xlane v18, v1  }
0x31: {  	v13 =	vlaneseq.u32;
	s8 =	smov.u32 s6;
	p1 =	seq.s32 s3, $0x0;
	v14 =	vsel vm1, v17, v14;
	s6 =	simm.s32 @!p0 $0x63;
	v16 =	vmax.f32 v16, v59  }
0x32: {  	s8 =	simm.s32 @!p1 $0x63;
	p1 =	seq.s32 s31, $0x0;
	v60 =	vmov s6;
	s6 =	smov.u32 s1;
	v18 =	vmax.f32 v18, v19;
	v61 =	vperm.xlane v16, v1  }
0x33: {  	v15 =	vsel vm2, v17, v15;
	p0 =	seq.s32 s31, $0x1;
	v62 =	vmov s8;
	s6 =	simm.s32 @!p1 $0x63;
	v19 =	vperm.xlane v18, v2  }
0x34: {  	s1 =	simm.s32 @!p0 $0x63;
	vm1 =	veq.s32 v60, v13;
	v63 =	vmov s6;
	v16 =	vmax.f32 v16, v61  }
0x35: {  	v17 =	vmax.f32 v18, v19;
	v19 =	vmov s1;
	v18 =	vperm.xlane v16, v2  }
0x36: {  	v14 =	vsel vm1, v17, v14;
	vm1 =	veq.s32 v62, v13;
	vm2 =	veq.s32 v19, v13  }
0x37: {  	v17 =	vsel vm1, v17, v15;
	vm1 =	veq.s32 v63, v13;
	v16 =	vmax.f32 v16, v18  }
0x38: {  	v15 =	vsel vm2, v16, v14;
	v16 =	vsel vm1, v16, v17  }
0x39: {  	v14 =	vlaneseq.u32;
	v17 =	vmax.f32 v16, v15  }
.LBB2_5:
0x3a: {  	p0 =	sne.s32 s30, $0x13;
	v18 =	vperm.xlane v17, v3;
	_ =	sdelay $0x1  }
0x3b: {  	v17 =	vmax.f32 v17, v18  }
0x3c: {  	v18 =	vperm.xlane v17, v4;
	_ =	sdelay $0x1  }
0x3d: {  	v17 =	vmax.f32 v17, v18  }
0x3e: {  	v18 =	vperm.xlane v17, v6;
	_ =	sdelay $0x1  }
0x3f: {  	v17 =	vmax.f32 v17, v18  }
0x40: {  	v18 =	vperm.xlane v17, v7;
	_ =	sdelay $0x1  }
0x41: {  	v17 =	vmax.f32 v17, v18  }
0x42: {  	vm1 =	veq.f32 v15, v17  }
0x43: {  	vm2 =	veq.f32 v16, v17;
	v18 =	vsel vm1, v9, v8  }
0x44: {  	v18 =	vsel vm2, v5, v18  }
0x45: {  	v19 =	vperm.xlane v18, v3;
	_ =	sdelay $0x1  }
0x46: {  	vm1 =	vlt.s32 v18, v19  }
0x47: {  	v18 =	vsel vm1, v18, v19  }
0x48: {  	v19 =	vperm.xlane v18, v4;
	_ =	sdelay $0x1  }
0x49: {  	vm1 =	vlt.s32 v18, v19  }
0x4a: {  	v18 =	vsel vm1, v18, v19  }
0x4b: {  	v19 =	vperm.xlane v18, v6;
	_ =	sdelay $0x1  }
0x4c: {  	vm1 =	vlt.s32 v18, v19  }
0x4d: {  	v18 =	vsel vm1, v18, v19  }
0x4e: {  	v19 =	vperm.xlane v18, v7;
	_ =	sdelay $0x1  }
0x4f: {  	vm1 =	vlt.s32 v18, v19  }
0x50: {  	v18 =	vsel vm1, v18, v19  }
0x51: {  	v19 =	vshll.u32 v18, $0x5;
	(v2sf) =	vpush v18, $0x0;
	_ =	sdelay $0xe  }
0x52: {  	s1 =	spop (v2sf)  }
0x53: {  	s3 =	sshll.u32 s1, $0x7  }
0x54: {  	s3 =	sshra.s32 s3, $0x2  }
0x55: {  	v18 =	vld [tilespmem:s3+$0x10]  }
0x56: {  	v20 =	vld [tilespmem:s3+$0x0];
	_ =	sdelay $0x3  }
0x57: {  	vm1 =	veq.f32 v18, v17  }
0x58: {  	vm2 =	veq.f32 v20, v17;
	v17 =	vsel vm1, v9, v8  }
0x59: {  	v17 =	vsel vm2, v5, v17  }
0x5a: {  	v21 =	vperm.xlane v17, v3;
	_ =	sdelay $0x1  }
0x5b: {  	vm1 =	vlt.s32 v17, v21  }
0x5c: {  	v17 =	vsel vm1, v17, v21  }
0x5d: {  	v21 =	vperm.xlane v17, v4;
	_ =	sdelay $0x1  }
0x5e: {  	vm1 =	vlt.s32 v17, v21  }
0x5f: {  	v17 =	vsel vm1, v17, v21  }
0x60: {  	v21 =	vperm.xlane v17, v6;
	_ =	sdelay $0x1  }
0x61: {  	vm1 =	vlt.s32 v17, v21  }
0x62: {  	v17 =	vsel vm1, v17, v21  }
0x63: {  	v21 =	vperm.xlane v17, v7  }
0x64: {  	s6 =	sadd.s32 $0xFFFFFFF8, s29  }
0x65: {  	v22 =	vmov s29;
	s29 =	smov.u32 s30;
	v23 =	vmov s6;
	vm1 =	vlt.s32 v17, v21  }
0x66: {  	vm2 =	veq.s32 v23, v5;
	v17 =	vsel vm1, v17, v21;
	vm1 =	veq.s32 v22, v5  }
0x67: {  	v19 =	vadd.s32 v19, v17;
	vm3 =	veq.s32 v17, v5;
	vm4 =	veq.s32 v17, v9  }
0x68: {  	v17 =	vsel vm3, $0xFF800000, v20;
	v18 =	vsel vm4, $0xFF800000, v18;
	v13 =	vsel vm1, v19, v13  }
0x69: {  	v14 =	vsel vm2, v19, v14;
	[tilespmem:s3+$0x10] =	vst v18;
	v18 =	vmax.f32 v17, v18  }
0x6a: {  	[tilespmem:s3+$0x0] =	vst v17;
	v17 =	vperm.xlane v18, v3;
	_ =	sdelay $0x1  }
0x6b: {  	v17 =	vmax.f32 v18, v17  }
0x6c: {  	v18 =	vperm.xlane v17, v4;
	_ =	sdelay $0x1  }
0x6d: {  	v17 =	vmax.f32 v17, v18  }
0x6e: {  	v18 =	vperm.xlane v17, v6  }
0x6f: {  	s3 =	sshra.s32 s1, $0x4;
	s1 =	sand.u32 $0xF, s1  }
0x70: {  	p1 =	seq.s32 s3, $0x0;
	p2 =	seq.s32 s3, $0x1;
	s3 =	smov.u32 s1;
	v17 =	vmax.f32 v17, v18  }
.Ltmp1:
0x71: {  	s3 =	simm.s32 @!p1 $0x63;
	s1 =	simm.s32 @!p2 $0x63;
	v18 =	vperm.xlane v17, v7;
	(pc) =	sbr.rel @p0 .LBB2_5-.Ltmp1, $4  }
0x72: {  	v19 =	vmov s3;
	v20 =	vmov s1  }
0x73: {  	vm1 =	veq.s32 v19, v5;
	vm2 =	veq.s32 v20, v5;
	v17 =	vmax.f32 v17, v18  }
0x74: {  	v16 =	vsel vm1, v17, v16;
	v15 =	vsel vm2, v17, v15  }
0x75: {  	s30 =	sadd.s32 $0x1, s30;
	v17 =	vmax.f32 v16, v15  }
0x76: {  	v18 =	vperm.xlane v17, v3;
	_ =	sdelay $0x1  }
0x77: {  	v17 =	vmax.f32 v17, v18  }
0x78: {  	v18 =	vperm.xlane v17, v4;
	_ =	sdelay $0x1  }
0x79: {  	v17 =	vmax.f32 v17, v18  }
0x7a: {  	v18 =	vperm.xlane v17, v6;
	_ =	sdelay $0x1  }
0x7b: {  	v17 =	vmax.f32 v17, v18  }
0x7c: {  	v18 =	vperm.xlane v17, v7;
	_ =	sdelay $0x1  }
0x7d: {  	v17 =	vmax.f32 v17, v18  }
0x7e: {  	vm1 =	veq.f32 v15, v17  }
0x7f: {  	vm2 =	veq.f32 v16, v17;
	v15 =	vsel vm1, v9, v8  }
0x80: {  	v15 =	vsel vm2, v5, v15  }
0x81: {  	v16 =	vperm.xlane v15, v3;
	_ =	sdelay $0x1  }
0x82: {  	vm1 =	vlt.s32 v15, v16  }
0x83: {  	v15 =	vsel vm1, v15, v16  }
0x84: {  	v16 =	vperm.xlane v15, v4;
	_ =	sdelay $0x1  }
0x85: {  	vm1 =	vlt.s32 v15, v16  }
0x86: {  	v15 =	vsel vm1, v15, v16  }
0x87: {  	v16 =	vperm.xlane v15, v6;
	_ =	sdelay $0x1  }
0x88: {  	vm1 =	vlt.s32 v15, v16  }
0x89: {  	v15 =	vsel vm1, v15, v16  }
0x8a: {  	v16 =	vperm.xlane v15, v7;
	_ =	sdelay $0x1  }
0x8b: {  	vm1 =	vlt.s32 v15, v16  }
0x8c: {  	v15 =	vsel vm1, v15, v16  }
0x8d: {  	(v2sf) =	vpush v15, $0x0;
	_ =	sdelay $0xe  }
0x8e: {  	s1 =	spop (v2sf)  }
0x8f: {  	s1 =	sshll.u32 s1, $0x7  }
0x90: {  	s1 =	sshra.s32 s1, $0x2  }
0x91: {  	v16 =	vld [tilespmem:s1+$0x10]  }
0x92: {  	v18 =	vld [tilespmem:s1+$0x0];
	_ =	sdelay $0x3  }
0x93: {  	vm1 =	veq.f32 v16, v17  }
0x94: {  	vm2 =	veq.f32 v18, v17;
	v17 =	vsel vm1, v9, v8  }
0x95: {  	v17 =	vsel vm2, v5, v17  }
0x96: {  	v19 =	vperm.xlane v17, v3;
	_ =	sdelay $0x1  }
0x97: {  	vm1 =	vlt.s32 v17, v19  }
0x98: {  	v17 =	vsel vm1, v17, v19  }
0x99: {  	v19 =	vperm.xlane v17, v4;
	_ =	sdelay $0x1  }
0x9a: {  	vm1 =	vlt.s32 v17, v19  }
0x9b: {  	v17 =	vsel vm1, v17, v19  }
0x9c: {  	v19 =	vperm.xlane v17, v6;
	_ =	sdelay $0x1  }
0x9d: {  	vm1 =	vlt.s32 v17, v19  }
0x9e: {  	v17 =	vsel vm1, v17, v19  }
0x9f: {  	v19 =	vperm.xlane v17, v7;
	_ =	sdelay $0x1  }
0xa0: {  	vm1 =	vlt.s32 v17, v19  }
0xa1: {  	s3 =	sadd.s32 $0xFFFFFFF8, s29;
	v17 =	vsel vm1, v17, v19  }
0xa2: {  	v20 =	vmov s3;
	v15 =	vshll.u32 v15, $0x5;
	vm1 =	veq.s32 v17, v9  }
0xa3: {  	v19 =	vmov s29;
	vm2 =	veq.s32 v17, v5;
	v16 =	vsel vm1, $0xFF800000, v16  }
0xa4: {  	v15 =	vadd.s32 v15, v17;
	vm1 =	veq.s32 v19, v5;
	v17 =	vsel vm2, $0xFF800000, v18;
	[tilespmem:s1+$0x10] =	vst v16  }
0xa5: {  	vm2 =	veq.s32 v20, v5;
	v13 =	vsel vm1, v15, v13;
	[tilespmem:s1+$0x0] =	vst v17  }
0xa6: {  	v14 =	vsel vm2, v15, v14;
	[tilespmem:$0x800] =	vst v13  }
0xa7: {  	[tilespmem:$0x808] =	vst v14  }
0xa8: {  	v13 =	vld [tilespmem:$0x800];
	_ =	sdelay $0x4  }
0xa9: {  	v14 =	vshll.u32 v13, $0x1  }
0xaa: {  	v13 =	vand.u32 $0x7, v13;
	v14 =	vand.u32 $0xFFFFFFF0, v14  }
0xab: {  	v13 =	vor.u32 v13, v14  }
0xac: {  	v14 =	vperm.xlane v13, v10;
	_ =	sdelay $0x1  }
0xad: {  	v13 =	vperm.xlane v13, v12;
	v14 =	vadd.s32 v11, v14;
	_ =	sdelay $0x1  }
0xae: {  	v13 =	vadd.s32 v11, v13;
	_ =	sdelay $0x1  }
0xaf: {  	s30 =	simm.s32 $0x0  }
0xb0: {  	[tilespmem:s14], [sflag:$0x2] =	stream.indirect_vreg.gather [hbm4b:s0+s30], $0x80, v14, vm0, $0xb8;
	[tilespmem:$0x3B00] =	vst v63  }
0xb1: {  	_ = 	snop  }
0xb2: {  	[tilespmem:s15], [sflag:$0x2] =	stream.indirect_vreg.gather [hbm4b:s0+s30], $0x80, v13, vm0, $0xb8;
	[tilespmem:$0x3B00] =	vst v63  }
0xb3: {  	v13 =	vld.msk [tilespmem:$0x810], $0xff;
	_ =	sdelay $0x4  }
0xb4: {  	v14 =	vshll.u32 v13, $0x1  }
0xb5: {  	v13 =	vand.u32 $0x7, v13;
	v14 =	vand.u32 $0xFFFFFFF0, v14  }
0xb6: {  	v13 =	vor.u32 v13, v14  }
0xb7: {  	v13 =	vperm.xlane v13, v10;
	_ =	sdelay $0x1  }
0xb8: {  	s8 =	sshll.u32 s28, $0x1;
	v13 =	vadd.s32 v11, v13  }
0xb9: {  	s29 =	sadd.s32 s4, s8  }
0xba: {  	s1 =	sadd.s32 $0x2, s29  }
0xbb: {  	s1 =	smin.u32 s1, s9  }
0xbc: {  	s10 =	sshll.u32 s1, $0x4  }
0xbd: {  	[tilespmem:s16], [sflag:$0x2] =	stream.indirect_vreg.gather [hbm4b:s0+s30], $0x80, v13, vm0, $0xb8;
	[tilespmem:$0x3B00] =	vst v63  }
0xbe: {  	s1 =	sshll.u32 s1, $0x7;
	s3 =	sand.u32 $0x70, s10;
	_ =	swait.ge [sflag:s13], $0x400  }
0xbf: {  	s1 =	sand.u32 $0x1FC00, s1;
	s3 =	sadd.s32 s5, s3;
	[sflag:s13] =	ssyncset.done $0x0  }
0xc0: {  	s24 =	simm.s32 $0x410;
	s1 =	sadd.s32 s1, s3;
	[sflag:s13] =	ssyncadd.s32 $0xFFFFFC00  }
0xc1: {  	[tilespmem:s30], [sflag:$0x1] =	stream.strided.gather [hbm4b:s1+s11], $0x400, s12, s11, $0x38;
	[tilespmem:$0x3B00] =	vst v63  }
0xc2: {  	v13 =	vld [tilespmem:s24+$0xFFFFFFF0]  }
0xc3: {  	v14 =	vld [tilespmem:s24+$0x0];
	_ =	sdelay $0x1  }
0xc4: {  	s25 =	simm.s32 $0x430  }
0xc5: {  	v15 =	vld [tilespmem:s25+$0xFFFFFFF0]  }
0xc6: {  	v16 =	vld [tilespmem:s25+$0x0]  }
0xc7: {  	v13 =	vmax.f32 v13, v14  }
0xc8: {  	v14 =	vperm.xlane v13, v3;
	_ =	sdelay $0x1  }
0xc9: {  	v13 =	vmax.f32 v13, v14  }
0xca: {  	s8 =	simm.s32 $0x450;
	v15 =	vmax.f32 v15, v16;
	v17 =	vperm.xlane v13, v0  }
0xcb: {  	v19 =	vld [tilespmem:s8+$0x0];
	v16 =	vperm.xlane v15, v3  }
0xcc: {  	p0 =	por $0x0, $0x0;
	s3 =	sand.u32 $0xF, s30;
	v14 =	vld [tilespmem:$0x400];
	v13 =	vmax.f32 v13, v17  }
0xcd: {  	s6 =	smov.u32 s3;
	s3 =	simm.s32 @!p0 $0x63;
	v18 =	vmax.f32 v15, v16;
	v16 =	vld [tilespmem:s8+$0xFFFFFFF0];
	v17 =	vperm.xlane v13, v1  }
0xce: {  	v15 =	vmov s3  }
0xcf: {  	p1 =	por $0x1, $0x1;
	v17 =	vmax.f32 v13, v17  }
0xd0: {  	s31 =	simm.s32 $0x1;
	s10 =	simm.s32 $0x1;
	s6 =	simm.s32 @!p1 $0x63;
	v22 =	vperm.xlane v18, v0;
	v13 =	vlaneseq.u32;
	v21 =	vperm.xlane v17, v2  }
0xd1: {  	v20 =	vmov s6;
	s1 =	simm.s32 $0x2;
	s3 =	simm.s32 $0x3;
	s8 =	simm.s32 $0x470;
	vm1 =	veq.s32 v15, v13;
	v15 =	vmov v14  }
.LBB2_7:
0xd2: {  	v23 =	vmax.f32 v16, v19;
	v16 =	vld [tilespmem:s8+$0xFFFFFFF0];
	v22 =	vmax.f32 v18, v22;
	v24 =	vmax.f32 v17, v21;
	s6 =	smov.u32 s3;
	p0 =	sne.s32 s3, $0x1F;
	s3 =	sadd.s32 $0x1, s3  }
.Ltmp2:
0xd3: {  	s24 =	sshrl.u32 s10, $0x4;
	s25 =	sand.u32 $0xF, s10;
	v19 =	vld [tilespmem:s8+$0x0];
	v17 =	vperm.xlane v23, v3;
	v21 =	vperm.xlane v22, v1;
	v14 =	vsel vm1, v24, v14;
	(pc) =	sbr.rel @p0 .LBB2_7-.Ltmp2, $4  }
0xd4: {  	vm2 =	veq.s32 v20, v13;
	p1 =	seq.s32 s24, $0x0;
	p2 =	seq.s32 s24, $0x1;
	s24 =	smov.u32 s25  }
0xd5: {  	s10 =	smov.u32 s1;
	s24 =	simm.s32 @!p1 $0x63;
	s25 =	simm.s32 @!p2 $0x63;
	v18 =	vmax.f32 v23, v17;
	v17 =	vmax.f32 v22, v21  }
0xd6: {  	s1 =	smov.u32 s6;
	v23 =	vmov s25;
	v22 =	vperm.xlane v18, v0;
	v21 =	vperm.xlane v17, v2  }
0xd7: {  	s8 =	sadd.s32 $0x20, s8;
	v15 =	vsel vm2, v24, v15;
	v20 =	vmov s24;
	vm1 =	veq.s32 v23, v13  }
0xd8: {  	v16 =	vmax.f32 v16, v19  }
0xd9: {  	v19 =	vperm.xlane v16, v3;
	_ =	sdelay $0x1  }
0xda: {  	v16 =	vmax.f32 v16, v19  }
0xdb: {  	v18 =	vmax.f32 v18, v22;
	s3 =	sshrl.u32 s10, $0x4;
	s6 =	sand.u32 $0xF, s10;
	v59 =	vperm.xlane v16, v0  }
0xdc: {  	v17 =	vmax.f32 v17, v21;
	vm2 =	veq.s32 v20, v13;
	s25 =	sshrl.u32 s1, $0x4;
	s1 =	sand.u32 $0xF, s1;
	p0 =	seq.s32 s3, $0x1;
	v19 =	vperm.xlane v18, v1  }
0xdd: {  	v13 =	vlaneseq.u32;
	s8 =	smov.u32 s6;
	p1 =	seq.s32 s3, $0x0;
	v14 =	vsel vm1, v17, v14;
	s6 =	simm.s32 @!p0 $0x63;
	v16 =	vmax.f32 v16, v59  }
0xde: {  	s8 =	simm.s32 @!p1 $0x63;
	p1 =	seq.s32 s25, $0x0;
	v60 =	vmov s6;
	s6 =	smov.u32 s1;
	v18 =	vmax.f32 v18, v19;
	v61 =	vperm.xlane v16, v1  }
0xdf: {  	v15 =	vsel vm2, v17, v15;
	p0 =	seq.s32 s25, $0x1;
	v62 =	vmov s8;
	s6 =	simm.s32 @!p1 $0x63;
	v19 =	vperm.xlane v18, v2  }
0xe0: {  	s1 =	simm.s32 @!p0 $0x63;
	vm1 =	veq.s32 v60, v13;
	v63 =	vmov s6;
	v16 =	vmax.f32 v16, v61  }
0xe1: {  	v17 =	vmax.f32 v18, v19;
	v19 =	vmov s1;
	v18 =	vperm.xlane v16, v2  }
0xe2: {  	v14 =	vsel vm1, v17, v14;
	vm1 =	veq.s32 v62, v13;
	vm2 =	veq.s32 v19, v13  }
0xe3: {  	v17 =	vsel vm1, v17, v15;
	vm1 =	veq.s32 v63, v13;
	v16 =	vmax.f32 v16, v18  }
0xe4: {  	v15 =	vsel vm2, v16, v14;
	v16 =	vsel vm1, v16, v17  }
0xe5: {  	v14 =	vlaneseq.u32;
	v17 =	vmax.f32 v16, v15  }
.LBB2_9:
0xe6: {  	p0 =	sne.s32 s31, $0x13;
	v18 =	vperm.xlane v17, v3;
	_ =	sdelay $0x1  }
0xe7: {  	v17 =	vmax.f32 v17, v18  }
0xe8: {  	v18 =	vperm.xlane v17, v4;
	_ =	sdelay $0x1  }
0xe9: {  	v17 =	vmax.f32 v17, v18  }
0xea: {  	v18 =	vperm.xlane v17, v6;
	_ =	sdelay $0x1  }
0xeb: {  	v17 =	vmax.f32 v17, v18  }
0xec: {  	v18 =	vperm.xlane v17, v7;
	_ =	sdelay $0x1  }
0xed: {  	v17 =	vmax.f32 v17, v18  }
0xee: {  	vm1 =	veq.f32 v15, v17  }
0xef: {  	vm2 =	veq.f32 v16, v17;
	v18 =	vsel vm1, v9, v8  }
0xf0: {  	v18 =	vsel vm2, v5, v18  }
0xf1: {  	v19 =	vperm.xlane v18, v3;
	_ =	sdelay $0x1  }
0xf2: {  	vm1 =	vlt.s32 v18, v19  }
0xf3: {  	v18 =	vsel vm1, v18, v19  }
0xf4: {  	v19 =	vperm.xlane v18, v4;
	_ =	sdelay $0x1  }
0xf5: {  	vm1 =	vlt.s32 v18, v19  }
0xf6: {  	v18 =	vsel vm1, v18, v19  }
0xf7: {  	v19 =	vperm.xlane v18, v6;
	_ =	sdelay $0x1  }
0xf8: {  	vm1 =	vlt.s32 v18, v19  }
0xf9: {  	v18 =	vsel vm1, v18, v19  }
0xfa: {  	v19 =	vperm.xlane v18, v7;
	_ =	sdelay $0x1  }
0xfb: {  	vm1 =	vlt.s32 v18, v19  }
0xfc: {  	v18 =	vsel vm1, v18, v19  }
0xfd: {  	v19 =	vshll.u32 v18, $0x5;
	(v2sf) =	vpush v18, $0x0;
	_ =	sdelay $0xe  }
0xfe: {  	s1 =	spop (v2sf)  }
0xff: {  	s3 =	sshll.u32 s1, $0x7  }
0x100: {  	s3 =	sshra.s32 s3, $0x2  }
0x101: {  	v18 =	vld [tilespmem:s3+$0x410]  }
0x102: {  	v20 =	vld [tilespmem:s3+$0x400];
	_ =	sdelay $0x3  }
0x103: {  	vm1 =	veq.f32 v18, v17  }
0x104: {  	vm2 =	veq.f32 v20, v17;
	v17 =	vsel vm1, v9, v8  }
0x105: {  	v17 =	vsel vm2, v5, v17  }
0x106: {  	v21 =	vperm.xlane v17, v3;
	_ =	sdelay $0x1  }
0x107: {  	vm1 =	vlt.s32 v17, v21  }
0x108: {  	v17 =	vsel vm1, v17, v21  }
0x109: {  	v21 =	vperm.xlane v17, v4;
	_ =	sdelay $0x1  }
0x10a: {  	vm1 =	vlt.s32 v17, v21  }
0x10b: {  	v17 =	vsel vm1, v17, v21  }
0x10c: {  	v21 =	vperm.xlane v17, v6;
	_ =	sdelay $0x1  }
0x10d: {  	vm1 =	vlt.s32 v17, v21  }
0x10e: {  	v17 =	vsel vm1, v17, v21  }
0x10f: {  	v21 =	vperm.xlane v17, v7  }
0x110: {  	s6 =	sadd.s32 $0xFFFFFFF8, s30  }
0x111: {  	v22 =	vmov s30;
	s30 =	smov.u32 s31;
	v23 =	vmov s6;
	vm1 =	vlt.s32 v17, v21  }
0x112: {  	vm2 =	veq.s32 v23, v5;
	v17 =	vsel vm1, v17, v21;
	vm1 =	veq.s32 v22, v5  }
0x113: {  	v19 =	vadd.s32 v19, v17;
	vm3 =	veq.s32 v17, v5;
	vm4 =	veq.s32 v17, v9  }
0x114: {  	v17 =	vsel vm3, $0xFF800000, v20;
	v18 =	vsel vm4, $0xFF800000, v18;
	v13 =	vsel vm1, v19, v13  }
0x115: {  	v14 =	vsel vm2, v19, v14;
	[tilespmem:s3+$0x410] =	vst v18;
	v18 =	vmax.f32 v17, v18  }
0x116: {  	[tilespmem:s3+$0x400] =	vst v17;
	v17 =	vperm.xlane v18, v3;
	_ =	sdelay $0x1  }
0x117: {  	v17 =	vmax.f32 v18, v17  }
0x118: {  	v18 =	vperm.xlane v17, v4;
	_ =	sdelay $0x1  }
0x119: {  	v17 =	vmax.f32 v17, v18  }
0x11a: {  	v18 =	vperm.xlane v17, v6  }
0x11b: {  	s3 =	sshra.s32 s1, $0x4;
	s1 =	sand.u32 $0xF, s1  }
0x11c: {  	p1 =	seq.s32 s3, $0x0;
	p2 =	seq.s32 s3, $0x1;
	s3 =	smov.u32 s1;
	v17 =	vmax.f32 v17, v18  }
.Ltmp3:
0x11d: {  	s3 =	simm.s32 @!p1 $0x63;
	s1 =	simm.s32 @!p2 $0x63;
	v18 =	vperm.xlane v17, v7;
	(pc) =	sbr.rel @p0 .LBB2_9-.Ltmp3, $4  }
0x11e: {  	v19 =	vmov s3;
	v20 =	vmov s1  }
0x11f: {  	vm1 =	veq.s32 v19, v5;
	vm2 =	veq.s32 v20, v5;
	v17 =	vmax.f32 v17, v18  }
0x120: {  	v16 =	vsel vm1, v17, v16;
	v15 =	vsel vm2, v17, v15  }
0x121: {  	s31 =	sadd.s32 $0x1, s31;
	v17 =	vmax.f32 v16, v15  }
0x122: {  	v18 =	vperm.xlane v17, v3;
	_ =	sdelay $0x1  }
0x123: {  	v17 =	vmax.f32 v17, v18  }
0x124: {  	v18 =	vperm.xlane v17, v4;
	_ =	sdelay $0x1  }
0x125: {  	v17 =	vmax.f32 v17, v18  }
0x126: {  	v18 =	vperm.xlane v17, v6;
	_ =	sdelay $0x1  }
0x127: {  	v17 =	vmax.f32 v17, v18  }
0x128: {  	v18 =	vperm.xlane v17, v7;
	_ =	sdelay $0x1  }
0x129: {  	v17 =	vmax.f32 v17, v18  }
0x12a: {  	vm1 =	veq.f32 v15, v17  }
0x12b: {  	vm2 =	veq.f32 v16, v17;
	v15 =	vsel vm1, v9, v8  }
0x12c: {  	v15 =	vsel vm2, v5, v15  }
0x12d: {  	v52 =	vperm.xlane v15, v3;
	_ =	sdelay $0x1  }
0x12e: {  	vm1 =	vlt.s32 v15, v52  }
0x12f: {  	v15 =	vsel vm1, v15, v52  }
0x130: {  	v16 =	vperm.xlane v15, v4;
	_ =	sdelay $0x1  }
0x131: {  	vm1 =	vlt.s32 v15, v16  }
0x132: {  	v15 =	vsel vm1, v15, v16  }
0x133: {  	v16 =	vperm.xlane v15, v6;
	_ =	sdelay $0x1  }
0x134: {  	vm1 =	vlt.s32 v15, v16  }
0x135: {  	v15 =	vsel vm1, v15, v16  }
0x136: {  	v16 =	vperm.xlane v15, v7;
	_ =	sdelay $0x1  }
0x137: {  	vm1 =	vlt.s32 v15, v16  }
0x138: {  	v15 =	vsel vm1, v15, v16  }
0x139: {  	(v2sf) =	vpush v15, $0x0;
	_ =	sdelay $0xe  }
0x13a: {  	s1 =	spop (v2sf)  }
0x13b: {  	s1 =	sshll.u32 s1, $0x7  }
0x13c: {  	s1 =	sshra.s32 s1, $0x2  }
0x13d: {  	v53 =	vld [tilespmem:s1+$0x410]  }
0x13e: {  	v54 =	vld [tilespmem:s1+$0x400];
	_ =	sdelay $0x3  }
0x13f: {  	vm1 =	veq.f32 v53, v17  }
0x140: {  	vm2 =	veq.f32 v54, v17;
	v55 =	vsel vm1, v9, v8  }
0x141: {  	v17 =	vsel vm2, v5, v55  }
0x142: {  	v19 =	vperm.xlane v17, v3;
	_ =	sdelay $0x1  }
0x143: {  	vm1 =	vlt.s32 v17, v19  }
0x144: {  	v17 =	vsel vm1, v17, v19  }
0x145: {  	v19 =	vperm.xlane v17, v4;
	_ =	sdelay $0x1  }
0x146: {  	vm1 =	vlt.s32 v17, v19  }
0x147: {  	v17 =	vsel vm1, v17, v19  }
0x148: {  	v19 =	vperm.xlane v17, v6;
	_ =	sdelay $0x1  }
0x149: {  	vm1 =	vlt.s32 v17, v19  }
0x14a: {  	v17 =	vsel vm1, v17, v19  }
0x14b: {  	v19 =	vperm.xlane v17, v7;
	_ =	sdelay $0x1  }
0x14c: {  	vm1 =	vlt.s32 v17, v19  }
0x14d: {  	s3 =	sadd.s32 $0xFFFFFFF8, s30;
	v17 =	vsel vm1, v17, v19  }
0x14e: {  	v56 =	vmov s30;
	v20 =	vmov s3;
	vm1 =	veq.s32 v17, v9  }
0x14f: {  	v15 =	vshll.u32 v15, $0x5;
	vm2 =	veq.s32 v17, v5;
	v16 =	vsel vm1, $0xFF800000, v53  }
0x150: {  	v15 =	vadd.s32 v15, v17;
	vm1 =	veq.s32 v56, v5;
	v57 =	vsel vm2, $0xFF800000, v54;
	[tilespmem:s1+$0x410] =	vst v16  }
0x151: {  	vm2 =	veq.s32 v20, v5;
	v13 =	vsel vm1, v15, v13;
	[tilespmem:s1+$0x400] =	vst v57  }
0x152: {  	v14 =	vsel vm2, v15, v14;
	[tilespmem:$0x880] =	vst v13  }
0x153: {  	[tilespmem:$0x888] =	vst v14  }
0x154: {  	v13 =	vld [tilespmem:$0x880];
	_ =	sdelay $0x4  }
0x155: {  	v14 =	vshll.u32 v13, $0x1  }
0x156: {  	v13 =	vand.u32 $0x7, v13;
	v14 =	vand.u32 $0xFFFFFFF0, v14  }
0x157: {  	v13 =	vor.u32 v13, v14  }
0x158: {  	v14 =	vperm.xlane v13, v10;
	_ =	sdelay $0x1  }
0x159: {  	v13 =	vperm.xlane v13, v12;
	v14 =	vadd.s32 v11, v14;
	_ =	sdelay $0x1  }
0x15a: {  	v13 =	vadd.s32 v11, v13;
	_ =	sdelay $0x2  }
0x15b: {  	[tilespmem:s17], [sflag:$0x3] =	stream.indirect_vreg.gather [hbm4b:s0+s2], $0x80, v14, vm0, $0xb8;
	[tilespmem:$0x3B00] =	vst v63  }
0x15c: {  	_ = 	snop  }
0x15d: {  	[tilespmem:s18], [sflag:$0x3] =	stream.indirect_vreg.gather [hbm4b:s0+s2], $0x80, v13, vm0, $0xb8;
	[tilespmem:$0x3B00] =	vst v63  }
0x15e: {  	v13 =	vld.msk [tilespmem:$0x890], $0xff;
	_ =	sdelay $0x4  }
0x15f: {  	v14 =	vshll.u32 v13, $0x1  }
0x160: {  	v13 =	vand.u32 $0x7, v13;
	v14 =	vand.u32 $0xFFFFFFF0, v14  }
0x161: {  	v13 =	vor.u32 v13, v14  }
0x162: {  	v13 =	vperm.xlane v13, v10;
	_ =	sdelay $0x1  }
0x163: {  	s10 =	sadd.s32 $0x3, s29;
	v13 =	vadd.s32 v11, v13  }
0x164: {  	s1 =	smin.u32 s10, s9  }
0x165: {  	s24 =	sshll.u32 s1, $0x4  }
0x166: {  	s1 =	sshll.u32 s1, $0x7;
	s3 =	sand.u32 $0x70, s24  }
0x167: {  	s1 =	sand.u32 $0x1FC00, s1;
	s3 =	sadd.s32 s5, s3  }
0x168: {  	[tilespmem:s19], [sflag:$0x3] =	stream.indirect_vreg.gather [hbm4b:s0+s2], $0x80, v13, vm0, $0xb8;
	[tilespmem:$0x3B00] =	vst v63  }
0x169: {  	s1 =	sadd.s32 s1, s3  }
0x16a: {  	[tilespmem:s12], [sflag:$0x1] =	stream.strided.gather [hbm4b:s1+s11], $0x400, s12, s11, $0x38;
	[tilespmem:$0x3B00] =	vst v63  }
0x16b: {  	_ =	swait.ge [sflag:s20], $0x1800  }
0x16c: {  	p0 =	seq.s32 s28, $0x0;
	[sflag:s20] =	ssyncset.done $0x0  }
0x16d: {  	s1 =	simm.s32 @!p0 $0x4;
	[sflag:s20] =	ssyncadd.s32 $0xFFFFE800  }
0x16e: {  	s25 =	simm.s32 $0x0;
	_ =	swait.ge @!p0 [sflag:s1], $0x100  }
0x16f: {  	s6 =	sand.u32 $0x70, s25;
	s3 =	sand.u32 $0x400, s25;
	[sflag:s1] =	ssyncset.done @!p0 $0x0  }
0x170: {  	s8 =	sor.u32 s6, s3;
	[sflag:s1] =	ssyncadd.s32 @!p0 $0xFFFFFF00  }
0x171: {  	v13 =	vld [tilespmem:s8+$0x980]  }
0x172: {  	v14 =	vld [tilespmem:s8+$0x900];
	_ =	sdelay $0x1  }
0x173: {  	v15 =	vld [tilespmem:s8+$0xA00];
	_ =	sdelay $0x1  }
0x174: {  	v58 =	vld [tilespmem:s8+$0xA80]  }
0x175: {  	v13 =	vadd.f32 v13, v14  }
0x176: {  	v14 =	vld [tilespmem:s8+$0xB00]  }
0x177: {  	v13 =	vadd.f32 v15, v13  }
0x178: {  	v15 =	vld [tilespmem:s8+$0xB80]  }
0x179: {  	v13 =	vadd.f32 v58, v13  }
0x17a: {  	v59 =	vld [tilespmem:s8+$0xC00]  }
0x17b: {  	v13 =	vadd.f32 v14, v13  }
0x17c: {  	v14 =	vld [tilespmem:s8+$0xC80]  }
0x17d: {  	v13 =	vadd.f32 v15, v13  }
0x17e: {  	v15 =	vld [tilespmem:s8+$0x1100]  }
0x17f: {  	v13 =	vadd.f32 v59, v13  }
0x180: {  	v60 =	vld [tilespmem:s8+$0x1180]  }
0x181: {  	v13 =	vadd.f32 v14, v13  }
0x182: {  	v14 =	vld [tilespmem:s8+$0x1200]  }
0x183: {  	v13 =	vadd.f32 v15, v13  }
0x184: {  	v15 =	vld [tilespmem:s8+$0x1280]  }
0x185: {  	v13 =	vadd.f32 v60, v13  }
0x186: {  	v61 =	vld [tilespmem:s8+$0x1300]  }
0x187: {  	v13 =	vadd.f32 v14, v13  }
0x188: {  	v14 =	vld [tilespmem:s8+$0x1380]  }
0x189: {  	v13 =	vadd.f32 v15, v13  }
0x18a: {  	v15 =	vld [tilespmem:s8+$0x1400]  }
0x18b: {  	v13 =	vadd.f32 v61, v13  }
0x18c: {  	v62 =	vld [tilespmem:s8+$0x1480]  }
0x18d: {  	v13 =	vadd.f32 v14, v13  }
0x18e: {  	v14 =	vld [tilespmem:s8+$0x1900]  }
0x18f: {  	v13 =	vadd.f32 v15, v13  }
0x190: {  	v15 =	vld [tilespmem:s8+$0x1980]  }
0x191: {  	v13 =	vadd.f32 v62, v13  }
0x192: {  	v63 =	vld [tilespmem:s8+$0x1A00]  }
0x193: {  	v13 =	vadd.f32 v14, v13  }
0x194: {  	v14 =	vld [tilespmem:s8+$0x1A80]  }
0x195: {  	v13 =	vadd.f32 v15, v13;
	_ =	sdelay $0x1  }
0x196: {  	v13 =	vadd.f32 v63, v13  }
0x197: {  	s10 =	sshll.u32 s28, $0x5  }
0x198: {  	s31 =	sand.u32 $0x60, s10;
	s24 =	simm.s32 $0x10;
	s8 =	simm.s32 $0x80;
	v13 =	vadd.f32 v14, v13  }
0x199: {  	s3 =	simm.s32 $0x3900;
	s1 =	sand.u32 $0x70, s24;
	s25 =	sand.u32 $0x400, s8  }
0x19a: {  	s10 =	simm.s32 $0x20;
	s30 =	sor.u32 $0x10, s31;
	s1 =	sor.u32 s1, s25;
	[tilespmem:s3+$0x0] =	vst v13  }
.LBB2_11:
0x19b: {  	p1 =	sne.s32 s10, $0xF0;
	v13 =	vld [tilespmem:s1+$0x980]  }
0x19c: {  	v14 =	vld [tilespmem:s1+$0x900];
	_ =	sdelay $0x1  }
0x19d: {  	v15 =	vld [tilespmem:s1+$0xA00];
	_ =	sdelay $0x1  }
0x19e: {  	v16 =	vld [tilespmem:s1+$0xA80]  }
0x19f: {  	v13 =	vadd.f32 v13, v14  }
0x1a0: {  	v14 =	vld [tilespmem:s1+$0xB00]  }
0x1a1: {  	v13 =	vadd.f32 v15, v13  }
0x1a2: {  	v15 =	vld [tilespmem:s1+$0xB80]  }
0x1a3: {  	v13 =	vadd.f32 v16, v13  }
0x1a4: {  	v16 =	vld [tilespmem:s1+$0xC00]  }
0x1a5: {  	v13 =	vadd.f32 v14, v13  }
0x1a6: {  	v14 =	vld [tilespmem:s1+$0xC80]  }
0x1a7: {  	v13 =	vadd.f32 v15, v13  }
0x1a8: {  	v15 =	vld [tilespmem:s1+$0x1100]  }
0x1a9: {  	v13 =	vadd.f32 v16, v13  }
0x1aa: {  	v16 =	vld [tilespmem:s1+$0x1180]  }
0x1ab: {  	v13 =	vadd.f32 v14, v13  }
0x1ac: {  	v14 =	vld [tilespmem:s1+$0x1200]  }
0x1ad: {  	v13 =	vadd.f32 v15, v13  }
0x1ae: {  	v15 =	vld [tilespmem:s1+$0x1280]  }
0x1af: {  	v13 =	vadd.f32 v16, v13  }
0x1b0: {  	v16 =	vld [tilespmem:s1+$0x1300]  }
0x1b1: {  	v13 =	vadd.f32 v14, v13  }
0x1b2: {  	v14 =	vld [tilespmem:s1+$0x1380]  }
0x1b3: {  	v13 =	vadd.f32 v15, v13  }
0x1b4: {  	v15 =	vld [tilespmem:s1+$0x1400]  }
0x1b5: {  	v13 =	vadd.f32 v16, v13  }
0x1b6: {  	v16 =	vld [tilespmem:s1+$0x1480]  }
0x1b7: {  	v13 =	vadd.f32 v14, v13  }
0x1b8: {  	v14 =	vld [tilespmem:s1+$0x1900]  }
0x1b9: {  	v13 =	vadd.f32 v15, v13  }
0x1ba: {  	v15 =	vld [tilespmem:s1+$0x1980]  }
0x1bb: {  	v13 =	vadd.f32 v16, v13  }
0x1bc: {  	v16 =	vld [tilespmem:s1+$0x1A00]  }
0x1bd: {  	v13 =	vadd.f32 v14, v13  }
0x1be: {  	v14 =	vld [tilespmem:s1+$0x1A80]  }
0x1bf: {  	v13 =	vadd.f32 v15, v13;
	_ =	sdelay $0x1  }
.Ltmp4:
0x1c0: {  	v13 =	vadd.f32 v16, v13;
	(pc) =	sbr.rel @p1 .LBB2_11-.Ltmp4, $4  }
0x1c1: {  	_ = 	snop  }
0x1c2: {  	s8 =	sadd.s32 $0x80, s8;
	v13 =	vadd.f32 v14, v13  }
0x1c3: {  	s3 =	sadd.s32 $0x10, s3;
	s6 =	sand.u32 $0x400, s8;
	s1 =	sand.u32 $0x70, s10  }
0x1c4: {  	s10 =	sadd.s32 $0x10, s10;
	s1 =	sor.u32 s1, s6;
	[tilespmem:s3+$0x0] =	vst v13  }
0x1c5: {  	v13 =	vld [tilespmem:s1+$0x980]  }
0x1c6: {  	v14 =	vld [tilespmem:s1+$0x900];
	_ =	sdelay $0x1  }
0x1c7: {  	v15 =	vld [tilespmem:s1+$0xA00];
	_ =	sdelay $0x1  }
0x1c8: {  	v16 =	vld [tilespmem:s1+$0xA80]  }
0x1c9: {  	v13 =	vadd.f32 v13, v14  }
0x1ca: {  	v14 =	vld [tilespmem:s1+$0xB00]  }
0x1cb: {  	v13 =	vadd.f32 v15, v13  }
0x1cc: {  	v15 =	vld [tilespmem:s1+$0xB80]  }
0x1cd: {  	v13 =	vadd.f32 v16, v13  }
0x1ce: {  	v53 =	vld [tilespmem:s1+$0xC00]  }
0x1cf: {  	v13 =	vadd.f32 v14, v13  }
0x1d0: {  	v14 =	vld [tilespmem:s1+$0xC80]  }
0x1d1: {  	v13 =	vadd.f32 v15, v13  }
0x1d2: {  	v15 =	vld [tilespmem:s1+$0x1100]  }
0x1d3: {  	v13 =	vadd.f32 v53, v13  }
0x1d4: {  	v54 =	vld [tilespmem:s1+$0x1180]  }
0x1d5: {  	v13 =	vadd.f32 v14, v13  }
0x1d6: {  	v14 =	vld [tilespmem:s1+$0x1200]  }
0x1d7: {  	v13 =	vadd.f32 v15, v13  }
0x1d8: {  	v15 =	vld [tilespmem:s1+$0x1280]  }
0x1d9: {  	v13 =	vadd.f32 v54, v13  }
0x1da: {  	v55 =	vld [tilespmem:s1+$0x1300]  }
0x1db: {  	v13 =	vadd.f32 v14, v13  }
0x1dc: {  	v14 =	vld [tilespmem:s1+$0x1380]  }
0x1dd: {  	v13 =	vadd.f32 v15, v13  }
0x1de: {  	v15 =	vld [tilespmem:s1+$0x1400]  }
0x1df: {  	v13 =	vadd.f32 v55, v13  }
0x1e0: {  	v56 =	vld [tilespmem:s1+$0x1480]  }
0x1e1: {  	v13 =	vadd.f32 v14, v13  }
0x1e2: {  	v14 =	vld [tilespmem:s1+$0x1900]  }
0x1e3: {  	v13 =	vadd.f32 v15, v13  }
0x1e4: {  	v15 =	vld [tilespmem:s1+$0x1980]  }
0x1e5: {  	v13 =	vadd.f32 v56, v13  }
0x1e6: {  	v57 =	vld [tilespmem:s1+$0x1A00]  }
0x1e7: {  	v13 =	vadd.f32 v14, v13  }
0x1e8: {  	v14 =	vld [tilespmem:s1+$0x1A80]  }
0x1e9: {  	v13 =	vadd.f32 v15, v13;
	_ =	sdelay $0x1  }
0x1ea: {  	v13 =	vadd.f32 v57, v13;
	_ =	sdelay $0x1  }
0x1eb: {  	s6 =	sshll.u32 s29, $0x5;
	v13 =	vadd.f32 v14, v13  }
0x1ec: {  	s3 =	sadd.s32 $0x10, s3;
	s8 =	sadd.s32 s7, s31;
	s29 =	sand.u32 $0x7F00, s6  }
0x1ed: {  	s1 =	sadd.s32 s29, s8;
	[tilespmem:s3+$0x0] =	vst v13  }
0x1ee: {  	[hbm4b:s1+s11] =	stream.strided.scatter [tilespmem:s21], [sflag:$0x4], $0x100, s12, s11, $0x38;
	[tilespmem:$0x3B00] =	vst v63  }
0x1ef: {  	_ =	swait.ge [sflag:s22], $0x1800  }
0x1f0: {  	[sflag:s22] =	ssyncset.done $0x0  }
0x1f1: {  	s1 =	simm.s32 @!p0 $0x5;
	[sflag:s22] =	ssyncadd.s32 $0xFFFFE800  }
0x1f2: {  	s10 =	simm.s32 $0x0;
	_ =	swait.ge @!p0 [sflag:s1], $0x100  }
0x1f3: {  	s6 =	sand.u32 $0x70, s10;
	s3 =	sand.u32 $0x400, s10;
	[sflag:s1] =	ssyncset.done @!p0 $0x0  }
0x1f4: {  	s24 =	sor.u32 s6, s3;
	[sflag:s1] =	ssyncadd.s32 @!p0 $0xFFFFFF00  }
0x1f5: {  	v13 =	vld [tilespmem:s24+$0x2180]  }
0x1f6: {  	v14 =	vld [tilespmem:s24+$0x2100];
	_ =	sdelay $0x1  }
0x1f7: {  	v15 =	vld [tilespmem:s24+$0x2200];
	_ =	sdelay $0x1  }
0x1f8: {  	v58 =	vld [tilespmem:s24+$0x2280]  }
0x1f9: {  	v13 =	vadd.f32 v13, v14  }
0x1fa: {  	v14 =	vld [tilespmem:s24+$0x2300]  }
0x1fb: {  	v13 =	vadd.f32 v15, v13  }
0x1fc: {  	v15 =	vld [tilespmem:s24+$0x2380]  }
0x1fd: {  	v13 =	vadd.f32 v58, v13  }
0x1fe: {  	v59 =	vld [tilespmem:s24+$0x2400]  }
0x1ff: {  	v13 =	vadd.f32 v14, v13  }
0x200: {  	v14 =	vld [tilespmem:s24+$0x2480]  }
0x201: {  	v13 =	vadd.f32 v15, v13  }
0x202: {  	v15 =	vld [tilespmem:s24+$0x2900]  }
0x203: {  	v13 =	vadd.f32 v59, v13  }
0x204: {  	v60 =	vld [tilespmem:s24+$0x2980]  }
0x205: {  	v13 =	vadd.f32 v14, v13  }
0x206: {  	v14 =	vld [tilespmem:s24+$0x2A00]  }
0x207: {  	v13 =	vadd.f32 v15, v13  }
0x208: {  	v15 =	vld [tilespmem:s24+$0x2A80]  }
0x209: {  	v13 =	vadd.f32 v60, v13  }
0x20a: {  	v61 =	vld [tilespmem:s24+$0x2B00]  }
0x20b: {  	v13 =	vadd.f32 v14, v13  }
0x20c: {  	v14 =	vld [tilespmem:s24+$0x2B80]  }
0x20d: {  	v13 =	vadd.f32 v15, v13  }
0x20e: {  	v15 =	vld [tilespmem:s24+$0x2C00]  }
0x20f: {  	v13 =	vadd.f32 v61, v13  }
0x210: {  	v62 =	vld [tilespmem:s24+$0x2C80]  }
0x211: {  	v13 =	vadd.f32 v14, v13  }
0x212: {  	v14 =	vld [tilespmem:s24+$0x3100]  }
0x213: {  	v13 =	vadd.f32 v15, v13  }
0x214: {  	v15 =	vld [tilespmem:s24+$0x3180]  }
0x215: {  	v13 =	vadd.f32 v62, v13  }
0x216: {  	v63 =	vld [tilespmem:s24+$0x3200]  }
0x217: {  	v13 =	vadd.f32 v14, v13  }
0x218: {  	v14 =	vld [tilespmem:s24+$0x3280]  }
0x219: {  	v13 =	vadd.f32 v15, v13;
	_ =	sdelay $0x1  }
0x21a: {  	v13 =	vadd.f32 v63, v13;
	_ =	sdelay $0x1  }
0x21b: {  	s25 =	simm.s32 $0x10;
	s8 =	simm.s32 $0x80;
	v13 =	vadd.f32 v14, v13  }
0x21c: {  	s31 =	sand.u32 $0x400, s8;
	s3 =	simm.s32 $0x3A00;
	s1 =	sand.u32 $0x70, s25  }
0x21d: {  	s10 =	simm.s32 $0x20;
	s1 =	sor.u32 s1, s31;
	[tilespmem:s3+$0x0] =	vst v13  }
.LBB2_13:
0x21e: {  	p0 =	sne.s32 s10, $0xF0;
	v13 =	vld [tilespmem:s1+$0x2180]  }
0x21f: {  	v14 =	vld [tilespmem:s1+$0x2100];
	_ =	sdelay $0x1  }
0x220: {  	v15 =	vld [tilespmem:s1+$0x2200];
	_ =	sdelay $0x1  }
0x221: {  	v16 =	vld [tilespmem:s1+$0x2280]  }
0x222: {  	v13 =	vadd.f32 v13, v14  }
0x223: {  	v14 =	vld [tilespmem:s1+$0x2300]  }
0x224: {  	v13 =	vadd.f32 v15, v13  }
0x225: {  	v15 =	vld [tilespmem:s1+$0x2380]  }
0x226: {  	v13 =	vadd.f32 v16, v13  }
0x227: {  	v16 =	vld [tilespmem:s1+$0x2400]  }
0x228: {  	v13 =	vadd.f32 v14, v13  }
0x229: {  	v14 =	vld [tilespmem:s1+$0x2480]  }
0x22a: {  	v13 =	vadd.f32 v15, v13  }
0x22b: {  	v15 =	vld [tilespmem:s1+$0x2900]  }
0x22c: {  	v13 =	vadd.f32 v16, v13  }
0x22d: {  	v16 =	vld [tilespmem:s1+$0x2980]  }
0x22e: {  	v13 =	vadd.f32 v14, v13  }
0x22f: {  	v14 =	vld [tilespmem:s1+$0x2A00]  }
0x230: {  	v13 =	vadd.f32 v15, v13  }
0x231: {  	v15 =	vld [tilespmem:s1+$0x2A80]  }
0x232: {  	v13 =	vadd.f32 v16, v13  }
0x233: {  	v16 =	vld [tilespmem:s1+$0x2B00]  }
0x234: {  	v13 =	vadd.f32 v14, v13  }
0x235: {  	v14 =	vld [tilespmem:s1+$0x2B80]  }
0x236: {  	v13 =	vadd.f32 v15, v13  }
0x237: {  	v15 =	vld [tilespmem:s1+$0x2C00]  }
0x238: {  	v13 =	vadd.f32 v16, v13  }
0x239: {  	v16 =	vld [tilespmem:s1+$0x2C80]  }
0x23a: {  	v13 =	vadd.f32 v14, v13  }
0x23b: {  	v14 =	vld [tilespmem:s1+$0x3100]  }
0x23c: {  	v13 =	vadd.f32 v15, v13  }
0x23d: {  	v15 =	vld [tilespmem:s1+$0x3180]  }
0x23e: {  	v13 =	vadd.f32 v16, v13  }
0x23f: {  	v16 =	vld [tilespmem:s1+$0x3200]  }
0x240: {  	v13 =	vadd.f32 v14, v13  }
0x241: {  	v14 =	vld [tilespmem:s1+$0x3280]  }
0x242: {  	v13 =	vadd.f32 v15, v13;
	_ =	sdelay $0x1  }
.Ltmp5:
0x243: {  	v13 =	vadd.f32 v16, v13;
	(pc) =	sbr.rel @p0 .LBB2_13-.Ltmp5, $4  }
0x244: {  	_ = 	snop  }
0x245: {  	s8 =	sadd.s32 $0x80, s8;
	v13 =	vadd.f32 v14, v13  }
0x246: {  	s3 =	sadd.s32 $0x10, s3;
	s6 =	sand.u32 $0x400, s8;
	s1 =	sand.u32 $0x70, s10  }
0x247: {  	s10 =	sadd.s32 $0x10, s10;
	s1 =	sor.u32 s1, s6;
	[tilespmem:s3+$0x0] =	vst v13  }
0x248: {  	v13 =	vld [tilespmem:s1+$0x2180]  }
0x249: {  	v14 =	vld [tilespmem:s1+$0x2100];
	_ =	sdelay $0x1  }
0x24a: {  	v15 =	vld [tilespmem:s1+$0x2200];
	_ =	sdelay $0x1  }
0x24b: {  	v16 =	vld [tilespmem:s1+$0x2280]  }
0x24c: {  	v13 =	vadd.f32 v13, v14  }
0x24d: {  	v14 =	vld [tilespmem:s1+$0x2300]  }
0x24e: {  	v13 =	vadd.f32 v15, v13  }
0x24f: {  	v15 =	vld [tilespmem:s1+$0x2380]  }
0x250: {  	v13 =	vadd.f32 v16, v13  }
0x251: {  	v59 =	vld [tilespmem:s1+$0x2400]  }
0x252: {  	v13 =	vadd.f32 v14, v13  }
0x253: {  	v14 =	vld [tilespmem:s1+$0x2480]  }
0x254: {  	v13 =	vadd.f32 v15, v13  }
0x255: {  	v15 =	vld [tilespmem:s1+$0x2900]  }
0x256: {  	v13 =	vadd.f32 v59, v13  }
0x257: {  	v60 =	vld [tilespmem:s1+$0x2980]  }
0x258: {  	v13 =	vadd.f32 v14, v13  }
0x259: {  	v14 =	vld [tilespmem:s1+$0x2A00]  }
0x25a: {  	v13 =	vadd.f32 v15, v13  }
0x25b: {  	v15 =	vld [tilespmem:s1+$0x2A80]  }
0x25c: {  	v13 =	vadd.f32 v60, v13  }
0x25d: {  	v61 =	vld [tilespmem:s1+$0x2B00]  }
0x25e: {  	v13 =	vadd.f32 v14, v13  }
0x25f: {  	v14 =	vld [tilespmem:s1+$0x2B80]  }
0x260: {  	v13 =	vadd.f32 v15, v13  }
0x261: {  	v15 =	vld [tilespmem:s1+$0x2C00]  }
0x262: {  	v13 =	vadd.f32 v61, v13  }
0x263: {  	v62 =	vld [tilespmem:s1+$0x2C80]  }
0x264: {  	v13 =	vadd.f32 v14, v13  }
0x265: {  	v14 =	vld [tilespmem:s1+$0x3100]  }
0x266: {  	v13 =	vadd.f32 v15, v13  }
0x267: {  	v15 =	vld [tilespmem:s1+$0x3180]  }
0x268: {  	v13 =	vadd.f32 v62, v13  }
0x269: {  	v63 =	vld [tilespmem:s1+$0x3200]  }
0x26a: {  	v13 =	vadd.f32 v14, v13  }
0x26b: {  	v14 =	vld [tilespmem:s1+$0x3280]  }
0x26c: {  	v13 =	vadd.f32 v15, v13  }
0x26d: {  	s28 =	sadd.s32 $0x1, s28  }
0x26e: {  	p0 =	sne.s32 s28, $0x10;
	v13 =	vadd.f32 v63, v13  }
.Ltmp6:
0x26f: {  	_ = 	snop;
	(pc) =	sbr.rel @p0 .LBB2_2-.Ltmp6, $4  }
0x270: {  	v13 =	vadd.f32 v14, v13  }
0x271: {  	s25 =	sadd.s32 $0x10, s3;
	s30 =	sadd.s32 s7, s30  }
0x272: {  	s31 =	sadd.s32 s29, s30;
	[tilespmem:s25+$0x0] =	vst v13  }
0x273: {  	[hbm4b:s31+s11] =	stream.strided.scatter [tilespmem:s23], [sflag:$0x5], $0x100, s12, s11, $0x38;
	[tilespmem:$0x3B00] =	vst v63  }
0x274: {  	_ =	swait.ge [sflag:s13], $0x400  }
0x275: {  	[sflag:s13] =	ssyncset.done $0x0  }
0x276: {  	[sflag:s13] =	ssyncadd.s32 $0xFFFFFC00  }
0x277: {  	_ =	swait.ge [sflag:s13], $0x400  }
0x278: {  	[sflag:s13] =	ssyncset.done $0x0  }
0x279: {  	s1 =	simm.s32 $0x4;
	[sflag:s13] =	ssyncadd.s32 $0xFFFFFC00  }
0x27a: {  	_ =	swait.ge [sflag:s1], $0x100  }
0x27b: {  	[sflag:s1] =	ssyncset.done $0x0  }
0x27c: {  	s3 =	simm.s32 $0x5;
	[sflag:s1] =	ssyncadd.s32 $0xFFFFFF00  }
0x27d: {  	_ =	swait.ge [sflag:s3], $0x100  }
0x27e: {  	s26 =	sadd.s32 $0x1, s26;
	s31 =	rddreg [dreg:$0x5]  }
0x27f: {  	p0 =	sne.s32 s26, s31  }
.Ltmp7:
0x280: {  	_ = 	snop;
	(pc) =	sbr.rel @p0 .LBB2_1-.Ltmp7, $3  }
0x281: {  	_ =	sdelay $0x1  }
0x282: {  	[sflag:s3] =	ssyncset.done $0x0  }
0x283: {  	[sflag:s3] =	ssyncadd.s32 $0xFFFFFF00  }
0x284: {  	_ =	sfence.sel $0x180000  }
0x285: {  	[bflag:$0x0] =	sbarrier.arrive $0xFFFF  }
0x286: {  	_ =	strace $0x90000047  }
0x287: {  	s0 =	stileid.u32;
	[bflag:$0x2] =	sbarrier.arrive $0xFFFF  }
0x288: {  	p0 =	sne.s32 s0, $0x0;
	s0 =	rddreg [dreg:$0x2]  }
0x289: {  	s0 =	sadd.s32 @!p0 $0x100000, s0  }
0x28a: {  	[sflag:s0] =	ssyncadd.tile.s32 @!p0 $0x1;
	_ =	shalt  }
.Lfunc_end2:
_tile_overlayer_lowered:
.L_overlay_start_2:
0x28b: {  	(tag) =	ssettag $0x2  }
0x28c: {  	s0 =	rddreg [dreg:$0x0];
	s2 =	stileid.u32  }
0x28d: {  	s1 =	rddreg [dreg:$0x1];
	p0 =	sne.s32 s2, $0x0  }
0x28e: {  	s3 =	rddreg [dreg:$0x2];
	[bflag:$0x3] =	sbarrier.arrive $0xFFFF;
	s2 =	simm.s32 @!p0 $0x1C06  }
0x28f: {  	[timem:s3], [sflag:s2] =	dma.local @!p0 [hbm:s0], s1  }
0x290: {  	s0 =	simm.s32 @!p0 $0x6  }
0x291: {  	_ =	swait.ge @!p0 [sflag:s0], s1  }
0x292: {  	s1 =	ssub.s32 @!p0 $0x0, s1;
	[sflag:s0] =	ssyncset.done @!p0 $0x0  }
0x293: {  	[sflag:s0] =	ssyncadd.s32 @!p0 s1  }
0x294: {  	[bflag:$0x3] =	sbarrier.arrive $0xFFFF  }
0x295: {  	_ =	shalt  }

</sc_bundles>
